<compile_context>
chip_gen: v7x
topology: tpu7x:2x2x1
jax: 0.10.2.dev20260603
libtpu: 0.0.44.dev20260713+nightly
codegen_flags: <defaults>
</compile_context>

<pallas_src>
import functools

import jax
import jax.numpy as jnp
from jax import lax
from jax.experimental import pallas as pl
from jax.experimental.pallas import tpu as pltpu
from jax.experimental.pallas import tpu_sc as plsc

N_NODES = 10000
N_EDGES = 320000
D_FEAT = 128
NUM_CLASS = 2

NC, NS, L = 2, 16, 16
NW = NC * NS
P_ROWS = 2 * NUM_CLASS

BLK = 128
N_BLOCKS = N_EDGES // BLK
BLOCKS_PER = N_BLOCKS // NW
EXTRA_TILES = N_BLOCKS - BLOCKS_PER * NW
CHUNKB = 26
N_CHUNKS = BLOCKS_PER // CHUNKB
E_MAIN = BLOCKS_PER * BLK
E_STAGE = E_MAIN + BLK
G_CHUNK = CHUNKB * BLK // L
G_EXTRA = BLK // L


def _proj_body(x_ref, w_ref, b_ref, p_ref):
    wct = jnp.concatenate([w_ref[:, :D_FEAT], w_ref[:, D_FEAT:]], axis=0)
    bcol = jnp.concatenate(
        [b_ref[...].T, jnp.zeros((NUM_CLASS, 1), jnp.float32)], axis=0
    )
    p_ref[...] = (
        lax.dot_general(
            wct,
            x_ref[...],
            (((1,), (1,)), ((), ())),
            preferred_element_type=jnp.float32,
        )
        + bcol
    )


_proj = pl.pallas_call(
    _proj_body,
    out_shape=jax.ShapeDtypeStruct((P_ROWS, N_NODES), jnp.float32),
)

_mesh = plsc.VectorSubcoreMesh(
    core_axis_name="c", subcore_axis_name="s", num_cores=NC, num_subcores=NS
)


@functools.partial(
    pl.kernel,
    out_type=jax.ShapeDtypeStruct((N_BLOCKS, NUM_CLASS, BLK), jnp.float32),
    mesh=_mesh,
    scratch_types=[
        pltpu.VMEM((P_ROWS, N_NODES), jnp.float32),
        pltpu.VMEM((BLOCKS_PER + 1, BLK), jnp.int32),
        pltpu.VMEM((BLOCKS_PER + 1, BLK), jnp.int32),
        pltpu.VMEM((2, CHUNKB, NUM_CLASS, BLK), jnp.float32),
        pltpu.VMEM((1, NUM_CLASS, BLK), jnp.float32),
        pltpu.SemaphoreType.DMA,
        pltpu.SemaphoreType.DMA,
        pltpu.SemaphoreType.DMA,
    ],
    compiler_params=pltpu.CompilerParams(
        needs_layout_passes=False, use_tc_tiling_on_sc=False
    ),
)
def _edge_score(
    p_hbm, ei_hbm, out_hbm, p_v, src_v, dst_v, out_v, ext_v, sem_in, sem_p, sem_out
):
    wid = lax.axis_index("s") * NC + lax.axis_index("c")
    has_extra = wid < EXTRA_TILES
    bbase = wid * BLOCKS_PER + jnp.minimum(wid, EXTRA_TILES)

    cp_p = pltpu.async_copy(p_hbm, p_v, sem_p)
    cp_s = pltpu.async_copy(
        ei_hbm.at[pl.ds(bbase, BLOCKS_PER), 0],
        src_v.at[pl.ds(0, BLOCKS_PER)],
        sem_in,
    )
    cp_d = pltpu.async_copy(
        ei_hbm.at[pl.ds(bbase, BLOCKS_PER), 1],
        dst_v.at[pl.ds(0, BLOCKS_PER)],
        sem_in,
    )

    @pl.when(has_extra)
    def _():
        pltpu.async_copy(
            ei_hbm.at[pl.ds(bbase + BLOCKS_PER, 1), 0],
            src_v.at[pl.ds(BLOCKS_PER, 1)],
            sem_in,
        ).wait()
        pltpu.async_copy(
            ei_hbm.at[pl.ds(bbase + BLOCKS_PER, 1), 1],
            dst_v.at[pl.ds(BLOCKS_PER, 1)],
            sem_in,
        ).wait()

    cp_s.wait()
    cp_d.wait()
    cp_p.wait()

    lane = lax.iota(jnp.int32, L)
    r0 = jnp.zeros((L,), jnp.int32)
    r1 = r0 + 1
    r2 = r0 + 2
    r3 = r0 + 3

    def do_group(b_local, jbase, buf_ref, b_buf):
        s = src_v[b_local, pl.ds(jbase, L)]
        d = dst_v[b_local, pl.ds(jbase, L)]
        o0 = plsc.load_gather(p_v, [r0, s]) + plsc.load_gather(p_v, [r2, d])
        o1 = plsc.load_gather(p_v, [r1, s]) + plsc.load_gather(p_v, [r3, d])
        bv = r0 + b_buf
        jv = lane + jbase
        plsc.store_scatter(buf_ref, [bv, r0, jv], o0)
        plsc.store_scatter(buf_ref, [bv, r1, jv], o1)

    out_cp = [None, None]
    for k in range(N_CHUNKS):
        buf = k % 2
        if out_cp[buf] is not None:
            out_cp[buf].wait()

        @plsc.parallel_loop(0, G_CHUNK, unroll=4)
        def _(g):
            bc = g // (BLK // L)
            jbase = pl.multiple_of((g % (BLK // L)) * L, L)
            do_group(k * CHUNKB + bc, jbase, out_v.at[buf], bc)
        out_cp[buf] = pltpu.async_copy(
            out_v.at[buf], out_hbm.at[pl.ds(bbase + k * CHUNKB, CHUNKB)], sem_out
        )

    @pl.when(has_extra)
    def _():
        @plsc.parallel_loop(0, G_EXTRA, unroll=4)
        def _(g):
            do_group(BLOCKS_PER, pl.multiple_of(g * L, L), ext_v, 0)
        pltpu.async_copy(
            ext_v, out_hbm.at[pl.ds(bbase + BLOCKS_PER, 1)], sem_out
        ).wait()

    for cp in out_cp:
        if cp is not None:
            cp.wait()


def kernel(x, edge_index, W, b):
    ei3d = (
        edge_index.astype(jnp.int32)
        .reshape(2, N_BLOCKS, BLK)
        .transpose(1, 0, 2)
    )
    p = _proj(x, W, b.reshape(1, NUM_CLASS))
    out3d = _edge_score(p, ei3d)
    return out3d.transpose(0, 2, 1).reshape(N_EDGES, NUM_CLASS)

# --- scband reference (transcript-rebuilt; emitter-appended) ---
"""Pipeline reference for scband-mlppredictor-66305705116454 (READ-ONLY COPY).

The authoritative reference and input builder live on the scoring server;
editing this copy changes nothing except your own understanding.
"""

import jax, jax.numpy as jnp
import numpy as np

N_NODES = 10000
N_EDGES = 320000
D_FEAT = 128
NUM_CLASS = 2


def setup_inputs(seed: int = 0) -> dict:
    key = jax.random.key(seed)
    k_x, k_e, k_w, k_b = jax.random.split(key, 4)
    x = jax.random.normal(k_x, (N_NODES, D_FEAT), dtype=jnp.float32)
    edge_index = jax.random.randint(k_e, (2, N_EDGES), 0, N_NODES, dtype=jnp.int64)
    # nn.Linear(in_feat*2, num_class): weight [num_class, in_feat*2], bias [num_class]
    fan_in = D_FEAT * 2
    bound = 1.0 / np.sqrt(fan_in)
    W = jax.random.uniform(k_w, (NUM_CLASS, fan_in), minval=-bound, maxval=bound, dtype=jnp.float32)
    b = jax.random.uniform(k_b, (NUM_CLASS,), minval=-bound, maxval=bound, dtype=jnp.float32)
    return {"x": x, "edge_index": edge_index, "W": W, "b": b}


def reference(x, edge_index, W, b):
    # DGL apply_edges: for each edge, gather src/dst node features,
    # concat along feature dim, apply linear layer -> per-edge score.
    src = edge_index[0]
    dst = edge_index[1]
    h_src = jnp.take(x, src, axis=0)   # [E, d]
    h_dst = jnp.take(x, dst, axis=0)   # [E, d]
    h = jnp.concatenate([h_src, h_dst], axis=1)  # [E, 2d]
    score = h @ W.T + b                # [E, num_class]
    return score

if __name__ == "__main__":
    import jax
    _d = setup_inputs()
    print(jax.jit(kernel)(*tuple(_d.values())))

</pallas_src>

<mosaic_0001>
#map = affine_map<(d0, d1) -> (0, 0)>
#map1 = affine_map<(d0, d1) -> (0, 0, 0)>
module attributes {stable_mosaic.version = 14 : i64} {
  func.func @_edge_score(%arg0: i32, %arg1: i32, %arg2: memref<4x10000xf32, #tpu.memory_space<hbm>>, %arg3: memref<2500x2x128xi32, #tpu.memory_space<hbm>>, %arg4: memref<2500x2x128xf32, #tpu.memory_space<hbm>>, %arg5: memref<4x10000xf32, #tpu.memory_space<vmem>>, %arg6: memref<79x128xi32, #tpu.memory_space<vmem>>, %arg7: memref<79x128xi32, #tpu.memory_space<vmem>>, %arg8: memref<2x26x2x128xf32, #tpu.memory_space<vmem>>, %arg9: memref<1x2x128xf32, #tpu.memory_space<vmem>>, %arg10: memref<!tpu.dma_semaphore, #tpu.memory_space<semaphore_mem>>, %arg11: memref<!tpu.dma_semaphore, #tpu.memory_space<semaphore_mem>>, %arg12: memref<!tpu.dma_semaphore, #tpu.memory_space<semaphore_mem>>) attributes {dimension_semantics = [#tpu.dimension_semantics<core_parallel>, #tpu.dimension_semantics<subcore_parallel>], iteration_bounds = array<i64: 2, 16>, scalar_prefetch = 0 : i64, scratch_operands = 8 : i64, tpu.core_type = #tpu.core_type<sc_vector_subcore>, window_params = [{transform_indices = #map}, {transform_indices = #map1}, {transform_indices = #map1}]} {
    %mul3A = arith.constant 2 : i32
    %mul3A_0 = arith.muli %arg1, %mul3A : i32
    %add3A = arith.addi %mul3A_0, %arg0 : i32
    %lt3A = arith.constant 4 : i32
    %lt3A_1 = arith.cmpi slt, %add3A, %lt3A : i32
    %mul3A_2 = arith.constant 78 : i32
    %mul3A_3 = arith.muli %add3A, %mul3A_2 : i32
    %min3A = arith.constant 4 : i32
    %min3A_4 = arith.minsi %add3A, %min3A : i32
    %add3A_5 = arith.addi %mul3A_3, %min3A_4 : i32
    tpu.enqueue_dma source(%arg2 : memref<4x10000xf32, #tpu.memory_space<hbm>>) target(%arg5 : memref<4x10000xf32, #tpu.memory_space<vmem>>) target_semaphore(%arg11 : memref<!tpu.dma_semaphore, #tpu.memory_space<semaphore_mem>>)
    %dma_start3A = arith.constant 0 : i32
    %dma_start3A_6 = arith.constant 0 : i32
    %dma_start3A_7 = arith.constant 0 : i32
    %dma_start3A_8 = tpu.memref_slice %arg6[%dma_start3A_6, %dma_start3A_7] : memref<79x128xi32, #tpu.memory_space<vmem>> -> memref<78x128xi32, #tpu.memory_space<vmem>>
    %dma_start3A_9 = arith.constant 0 : i32
    %dma_start3A_10 = tpu.memref_slice %arg3[%add3A_5, %dma_start3A, %dma_start3A_9] : memref<2500x2x128xi32, #tpu.memory_space<hbm>> -> memref<78x1x128xi32, #tpu.memory_space<hbm>>
    %dma_start3A_11 = tpu.memref_squeeze %dma_start3A_10 : memref<78x1x128xi32, #tpu.memory_space<hbm>> -> memref<78x128xi32, #tpu.memory_space<hbm>>
    %dma_start3A_12 = arith.constant 0 : i32
    %dma_start3A_13 = arith.constant 0 : i32
    %dma_start3A_14 = tpu.memref_slice %arg6[%dma_start3A_12, %dma_start3A_13] : memref<79x128xi32, #tpu.memory_space<vmem>> -> memref<78x128xi32, #tpu.memory_space<vmem>>
    %dma_start3A_15 = arith.constant 0 : i32
    %dma_start3A_16 = tpu.memref_slice %arg3[%add3A_5, %dma_start3A, %dma_start3A_15] : memref<2500x2x128xi32, #tpu.memory_space<hbm>> -> memref<78x1x128xi32, #tpu.memory_space<hbm>>
    %dma_start3A_17 = tpu.memref_squeeze %dma_start3A_16 : memref<78x1x128xi32, #tpu.memory_space<hbm>> -> memref<78x128xi32, #tpu.memory_space<hbm>>
    tpu.enqueue_dma source(%dma_start3A_17 : memref<78x128xi32, #tpu.memory_space<hbm>>) target(%dma_start3A_14 : memref<78x128xi32, #tpu.memory_space<vmem>>) target_semaphore(%arg10 : memref<!tpu.dma_semaphore, #tpu.memory_space<semaphore_mem>>)
    %dma_start3A_18 = arith.constant 1 : i32
    %dma_start3A_19 = arith.constant 0 : i32
    %dma_start3A_20 = arith.constant 0 : i32
    %dma_start3A_21 = tpu.memref_slice %arg7[%dma_start3A_19, %dma_start3A_20] : memref<79x128xi32, #tpu.memory_space<vmem>> -> memref<78x128xi32, #tpu.memory_space<vmem>>
    %dma_start3A_22 = arith.constant 0 : i32
    %dma_start3A_23 = tpu.memref_slice %arg3[%add3A_5, %dma_start3A_18, %dma_start3A_22] : memref<2500x2x128xi32, #tpu.memory_space<hbm>> -> memref<78x1x128xi32, #tpu.memory_space<hbm>>
    %dma_start3A_24 = tpu.memref_squeeze %dma_start3A_23 : memref<78x1x128xi32, #tpu.memory_space<hbm>> -> memref<78x128xi32, #tpu.memory_space<hbm>>
    %dma_start3A_25 = arith.constant 0 : i32
    %dma_start3A_26 = arith.constant 0 : i32
    %dma_start3A_27 = tpu.memref_slice %arg7[%dma_start3A_25, %dma_start3A_26] : memref<79x128xi32, #tpu.memory_space<vmem>> -> memref<78x128xi32, #tpu.memory_space<vmem>>
    %dma_start3A_28 = arith.constant 0 : i32
    %dma_start3A_29 = tpu.memref_slice %arg3[%add3A_5, %dma_start3A_18, %dma_start3A_28] : memref<2500x2x128xi32, #tpu.memory_space<hbm>> -> memref<78x1x128xi32, #tpu.memory_space<hbm>>
    %dma_start3A_30 = tpu.memref_squeeze %dma_start3A_29 : memref<78x1x128xi32, #tpu.memory_space<hbm>> -> memref<78x128xi32, #tpu.memory_space<hbm>>
    tpu.enqueue_dma source(%dma_start3A_30 : memref<78x128xi32, #tpu.memory_space<hbm>>) target(%dma_start3A_27 : memref<78x128xi32, #tpu.memory_space<vmem>>) target_semaphore(%arg10 : memref<!tpu.dma_semaphore, #tpu.memory_space<semaphore_mem>>)
    %convert_element_type3A = arith.extui %lt3A_1 : i1 to i32
    %cond3A = arith.constant 0 : i32
    %cond3A_31 = arith.cmpi ne, %convert_element_type3A, %cond3A : i32
    scf.if %cond3A_31 {
      %add3A_186 = arith.constant 78 : i32
      %add3A_187 = arith.addi %add3A_5, %add3A_186 : i32
      %dma_start3A_188 = arith.constant 0 : i32
      %dma_start3A_189 = arith.constant 78 : i32
      %dma_start3A_190 = arith.constant 0 : i32
      %dma_start3A_191 = tpu.memref_slice %arg6[%dma_start3A_189, %dma_start3A_190] : memref<79x128xi32, #tpu.memory_space<vmem>> -> memref<1x128xi32, #tpu.memory_space<vmem>>
      %dma_start3A_192 = arith.constant 0 : i32
      %dma_start3A_193 = tpu.memref_slice %arg3[%add3A_187, %dma_start3A_188, %dma_start3A_192] : memref<2500x2x128xi32, #tpu.memory_space<hbm>> -> memref<1x1x128xi32, #tpu.memory_space<hbm>>
      %dma_start3A_194 = tpu.memref_squeeze %dma_start3A_193 : memref<1x1x128xi32, #tpu.memory_space<hbm>> -> memref<1x128xi32, #tpu.memory_space<hbm>>
      %dma_start3A_195 = arith.constant 78 : i32
      %dma_start3A_196 = arith.constant 0 : i32
      %dma_start3A_197 = tpu.memref_slice %arg6[%dma_start3A_195, %dma_start3A_196] : memref<79x128xi32, #tpu.memory_space<vmem>> -> memref<1x128xi32, #tpu.memory_space<vmem>>
      %dma_start3A_198 = arith.constant 0 : i32
      %dma_start3A_199 = tpu.memref_slice %arg3[%add3A_187, %dma_start3A_188, %dma_start3A_198] : memref<2500x2x128xi32, #tpu.memory_space<hbm>> -> memref<1x1x128xi32, #tpu.memory_space<hbm>>
      %dma_start3A_200 = tpu.memref_squeeze %dma_start3A_199 : memref<1x1x128xi32, #tpu.memory_space<hbm>> -> memref<1x128xi32, #tpu.memory_space<hbm>>
      tpu.enqueue_dma source(%dma_start3A_200 : memref<1x128xi32, #tpu.memory_space<hbm>>) target(%dma_start3A_197 : memref<1x128xi32, #tpu.memory_space<vmem>>) target_semaphore(%arg10 : memref<!tpu.dma_semaphore, #tpu.memory_space<semaphore_mem>>)
      %dma_wait3A_201 = arith.constant 0 : i32
      %dma_wait3A_202 = arith.constant 78 : i32
      %dma_wait3A_203 = arith.constant 0 : i32
      %dma_wait3A_204 = tpu.memref_slice %arg6[%dma_wait3A_202, %dma_wait3A_203] : memref<79x128xi32, #tpu.memory_space<vmem>> -> memref<1x128xi32, #tpu.memory_space<vmem>>
      %dma_wait3A_205 = arith.constant 0 : i32
      %dma_wait3A_206 = tpu.memref_slice %arg3[%add3A_187, %dma_wait3A_201, %dma_wait3A_205] : memref<2500x2x128xi32, #tpu.memory_space<hbm>> -> memref<1x1x128xi32, #tpu.memory_space<hbm>>
      %dma_wait3A_207 = tpu.memref_squeeze %dma_wait3A_206 : memref<1x1x128xi32, #tpu.memory_space<hbm>> -> memref<1x128xi32, #tpu.memory_space<hbm>>
      %dma_wait3A_208 = arith.constant 78 : i32
      %dma_wait3A_209 = arith.constant 0 : i32
      %dma_wait3A_210 = tpu.memref_slice %arg6[%dma_wait3A_208, %dma_wait3A_209] : memref<79x128xi32, #tpu.memory_space<vmem>> -> memref<1x128xi32, #tpu.memory_space<vmem>>
      %dma_wait3A_211 = arith.constant 0 : i32
      %dma_wait3A_212 = tpu.memref_slice %arg3[%add3A_187, %dma_wait3A_201, %dma_wait3A_211] : memref<2500x2x128xi32, #tpu.memory_space<hbm>> -> memref<1x1x128xi32, #tpu.memory_space<hbm>>
      %dma_wait3A_213 = tpu.memref_squeeze %dma_wait3A_212 : memref<1x1x128xi32, #tpu.memory_space<hbm>> -> memref<1x128xi32, #tpu.memory_space<hbm>>
      tpu.wait_dma2 semaphore(%arg10 : memref<!tpu.dma_semaphore, #tpu.memory_space<semaphore_mem>>) src(%dma_wait3A_213 : memref<1x128xi32, #tpu.memory_space<hbm>>) dst(%dma_wait3A_210 : memref<1x128xi32, #tpu.memory_space<vmem>>)
      %add3A_214 = arith.constant 78 : i32
      %add3A_215 = arith.addi %add3A_5, %add3A_214 : i32
      %dma_start3A_216 = arith.constant 1 : i32
      %dma_start3A_217 = arith.constant 78 : i32
      %dma_start3A_218 = arith.constant 0 : i32
      %dma_start3A_219 = tpu.memref_slice %arg7[%dma_start3A_217, %dma_start3A_218] : memref<79x128xi32, #tpu.memory_space<vmem>> -> memref<1x128xi32, #tpu.memory_space<vmem>>
      %dma_start3A_220 = arith.constant 0 : i32
      %dma_start3A_221 = tpu.memref_slice %arg3[%add3A_215, %dma_start3A_216, %dma_start3A_220] : memref<2500x2x128xi32, #tpu.memory_space<hbm>> -> memref<1x1x128xi32, #tpu.memory_space<hbm>>
      %dma_start3A_222 = tpu.memref_squeeze %dma_start3A_221 : memref<1x1x128xi32, #tpu.memory_space<hbm>> -> memref<1x128xi32, #tpu.memory_space<hbm>>
      %dma_start3A_223 = arith.constant 78 : i32
      %dma_start3A_224 = arith.constant 0 : i32
      %dma_start3A_225 = tpu.memref_slice %arg7[%dma_start3A_223, %dma_start3A_224] : memref<79x128xi32, #tpu.memory_space<vmem>> -> memref<1x128xi32, #tpu.memory_space<vmem>>
      %dma_start3A_226 = arith.constant 0 : i32
      %dma_start3A_227 = tpu.memref_slice %arg3[%add3A_215, %dma_start3A_216, %dma_start3A_226] : memref<2500x2x128xi32, #tpu.memory_space<hbm>> -> memref<1x1x128xi32, #tpu.memory_space<hbm>>
      %dma_start3A_228 = tpu.memref_squeeze %dma_start3A_227 : memref<1x1x128xi32, #tpu.memory_space<hbm>> -> memref<1x128xi32, #tpu.memory_space<hbm>>
      tpu.enqueue_dma source(%dma_start3A_228 : memref<1x128xi32, #tpu.memory_space<hbm>>) target(%dma_start3A_225 : memref<1x128xi32, #tpu.memory_space<vmem>>) target_semaphore(%arg10 : memref<!tpu.dma_semaphore, #tpu.memory_space<semaphore_mem>>)
      %dma_wait3A_229 = arith.constant 1 : i32
      %dma_wait3A_230 = arith.constant 78 : i32
      %dma_wait3A_231 = arith.constant 0 : i32
      %dma_wait3A_232 = tpu.memref_slice %arg7[%dma_wait3A_230, %dma_wait3A_231] : memref<79x128xi32, #tpu.memory_space<vmem>> -> memref<1x128xi32, #tpu.memory_space<vmem>>
      %dma_wait3A_233 = arith.constant 0 : i32
      %dma_wait3A_234 = tpu.memref_slice %arg3[%add3A_215, %dma_wait3A_229, %dma_wait3A_233] : memref<2500x2x128xi32, #tpu.memory_space<hbm>> -> memref<1x1x128xi32, #tpu.memory_space<hbm>>
      %dma_wait3A_235 = tpu.memref_squeeze %dma_wait3A_234 : memref<1x1x128xi32, #tpu.memory_space<hbm>> -> memref<1x128xi32, #tpu.memory_space<hbm>>
      %dma_wait3A_236 = arith.constant 78 : i32
      %dma_wait3A_237 = arith.constant 0 : i32
      %dma_wait3A_238 = tpu.memref_slice %arg7[%dma_wait3A_236, %dma_wait3A_237] : memref<79x128xi32, #tpu.memory_space<vmem>> -> memref<1x128xi32, #tpu.memory_space<vmem>>
      %dma_wait3A_239 = arith.constant 0 : i32
      %dma_wait3A_240 = tpu.memref_slice %arg3[%add3A_215, %dma_wait3A_229, %dma_wait3A_239] : memref<2500x2x128xi32, #tpu.memory_space<hbm>> -> memref<1x1x128xi32, #tpu.memory_space<hbm>>
      %dma_wait3A_241 = tpu.memref_squeeze %dma_wait3A_240 : memref<1x1x128xi32, #tpu.memory_space<hbm>> -> memref<1x128xi32, #tpu.memory_space<hbm>>
      tpu.wait_dma2 semaphore(%arg10 : memref<!tpu.dma_semaphore, #tpu.memory_space<semaphore_mem>>) src(%dma_wait3A_241 : memref<1x128xi32, #tpu.memory_space<hbm>>) dst(%dma_wait3A_238 : memref<1x128xi32, #tpu.memory_space<vmem>>)
    } else {
    }
    %dma_wait3A = arith.constant 0 : i32
    %dma_wait3A_32 = arith.constant 0 : i32
    %dma_wait3A_33 = arith.constant 0 : i32
    %dma_wait3A_34 = tpu.memref_slice %arg6[%dma_wait3A_32, %dma_wait3A_33] : memref<79x128xi32, #tpu.memory_space<vmem>> -> memref<78x128xi32, #tpu.memory_space<vmem>>
    %dma_wait3A_35 = arith.constant 0 : i32
    %dma_wait3A_36 = tpu.memref_slice %arg3[%add3A_5, %dma_wait3A, %dma_wait3A_35] : memref<2500x2x128xi32, #tpu.memory_space<hbm>> -> memref<78x1x128xi32, #tpu.memory_space<hbm>>
    %dma_wait3A_37 = tpu.memref_squeeze %dma_wait3A_36 : memref<78x1x128xi32, #tpu.memory_space<hbm>> -> memref<78x128xi32, #tpu.memory_space<hbm>>
    %dma_wait3A_38 = arith.constant 0 : i32
    %dma_wait3A_39 = arith.constant 0 : i32
    %dma_wait3A_40 = tpu.memref_slice %arg6[%dma_wait3A_38, %dma_wait3A_39] : memref<79x128xi32, #tpu.memory_space<vmem>> -> memref<78x128xi32, #tpu.memory_space<vmem>>
    %dma_wait3A_41 = arith.constant 0 : i32
    %dma_wait3A_42 = tpu.memref_slice %arg3[%add3A_5, %dma_wait3A, %dma_wait3A_41] : memref<2500x2x128xi32, #tpu.memory_space<hbm>> -> memref<78x1x128xi32, #tpu.memory_space<hbm>>
    %dma_wait3A_43 = tpu.memref_squeeze %dma_wait3A_42 : memref<78x1x128xi32, #tpu.memory_space<hbm>> -> memref<78x128xi32, #tpu.memory_space<hbm>>
    tpu.wait_dma2 semaphore(%arg10 : memref<!tpu.dma_semaphore, #tpu.memory_space<semaphore_mem>>) src(%dma_wait3A_43 : memref<78x128xi32, #tpu.memory_space<hbm>>) dst(%dma_wait3A_40 : memref<78x128xi32, #tpu.memory_space<vmem>>)
    %dma_wait3A_44 = arith.constant 1 : i32
    %dma_wait3A_45 = arith.constant 0 : i32
    %dma_wait3A_46 = arith.constant 0 : i32
    %dma_wait3A_47 = tpu.memref_slice %arg7[%dma_wait3A_45, %dma_wait3A_46] : memref<79x128xi32, #tpu.memory_space<vmem>> -> memref<78x128xi32, #tpu.memory_space<vmem>>
    %dma_wait3A_48 = arith.constant 0 : i32
    %dma_wait3A_49 = tpu.memref_slice %arg3[%add3A_5, %dma_wait3A_44, %dma_wait3A_48] : memref<2500x2x128xi32, #tpu.memory_space<hbm>> -> memref<78x1x128xi32, #tpu.memory_space<hbm>>
    %dma_wait3A_50 = tpu.memref_squeeze %dma_wait3A_49 : memref<78x1x128xi32, #tpu.memory_space<hbm>> -> memref<78x128xi32, #tpu.memory_space<hbm>>
    %dma_wait3A_51 = arith.constant 0 : i32
    %dma_wait3A_52 = arith.constant 0 : i32
    %dma_wait3A_53 = tpu.memref_slice %arg7[%dma_wait3A_51, %dma_wait3A_52] : memref<79x128xi32, #tpu.memory_space<vmem>> -> memref<78x128xi32, #tpu.memory_space<vmem>>
    %dma_wait3A_54 = arith.constant 0 : i32
    %dma_wait3A_55 = tpu.memref_slice %arg3[%add3A_5, %dma_wait3A_44, %dma_wait3A_54] : memref<2500x2x128xi32, #tpu.memory_space<hbm>> -> memref<78x1x128xi32, #tpu.memory_space<hbm>>
    %dma_wait3A_56 = tpu.memref_squeeze %dma_wait3A_55 : memref<78x1x128xi32, #tpu.memory_space<hbm>> -> memref<78x128xi32, #tpu.memory_space<hbm>>
    tpu.wait_dma2 semaphore(%arg10 : memref<!tpu.dma_semaphore, #tpu.memory_space<semaphore_mem>>) src(%dma_wait3A_56 : memref<78x128xi32, #tpu.memory_space<hbm>>) dst(%dma_wait3A_53 : memref<78x128xi32, #tpu.memory_space<vmem>>)
    tpu.wait_dma2 semaphore(%arg11 : memref<!tpu.dma_semaphore, #tpu.memory_space<semaphore_mem>>) src(%arg2 : memref<4x10000xf32, #tpu.memory_space<hbm>>) dst(%arg5 : memref<4x10000xf32, #tpu.memory_space<vmem>>)
    %iota3A = tpu.iota {dimensions = array<i32: 0>} : vector<16xi32>
    %broadcast_in_dim3A = arith.constant 0 : i32
    %broadcast_in_dim3A_57 = vector.broadcast %broadcast_in_dim3A : i32 to vector<16xi32>
    %add3A_58 = arith.constant 1 : i32
    %add3A_59 = vector.broadcast %add3A_58 : i32 to vector<16xi32>
    %add3A_60 = arith.addi %broadcast_in_dim3A_57, %add3A_59 : vector<16xi32>
    %add3A_61 = arith.constant 2 : i32
    %add3A_62 = vector.broadcast %add3A_61 : i32 to vector<16xi32>
    %add3A_63 = arith.addi %broadcast_in_dim3A_57, %add3A_62 : vector<16xi32>
    %add3A_64 = arith.constant 3 : i32
    %add3A_65 = vector.broadcast %add3A_64 : i32 to vector<16xi32>
    %add3A_66 = arith.addi %broadcast_in_dim3A_57, %add3A_65 : vector<16xi32>
    %parallel_loop3A = arith.constant 0 : i32
    %parallel_loop3A_67 = arith.constant 208 : i32
    %parallel_loop3A_68 = arith.constant 1 : i32
    scf.for %parallel_loop3A_186 = %parallel_loop3A to %parallel_loop3A_67 step %parallel_loop3A_68  : i32 {
      %parallel_loop3A_187 = arith.constant 8 : i32
      %parallel_loop3A_188 = arith.divsi %parallel_loop3A_186, %parallel_loop3A_187 : i32
      %parallel_loop3A_189 = arith.constant 0 : i32
      %parallel_loop3A_190 = arith.cmpi sgt, %parallel_loop3A_186, %parallel_loop3A_189 : i32
      %parallel_loop3A_191 = arith.extui %parallel_loop3A_190 : i1 to i32
      %parallel_loop3A_192 = arith.constant 0 : i32
      %parallel_loop3A_193 = arith.cmpi slt, %parallel_loop3A_186, %parallel_loop3A_192 : i32
      %parallel_loop3A_194 = arith.extui %parallel_loop3A_193 : i1 to i32
      %parallel_loop3A_195 = arith.subi %parallel_loop3A_191, %parallel_loop3A_194 : i32
      %parallel_loop3A_196 = arith.constant 0 : i32
      %parallel_loop3A_197 = arith.cmpi sgt, %parallel_loop3A_187, %parallel_loop3A_196 : i32
      %parallel_loop3A_198 = arith.extui %parallel_loop3A_197 : i1 to i32
      %parallel_loop3A_199 = arith.constant 0 : i32
      %parallel_loop3A_200 = arith.cmpi slt, %parallel_loop3A_187, %parallel_loop3A_199 : i32
      %parallel_loop3A_201 = arith.extui %parallel_loop3A_200 : i1 to i32
      %parallel_loop3A_202 = arith.subi %parallel_loop3A_198, %parallel_loop3A_201 : i32
      %parallel_loop3A_203 = arith.cmpi ne, %parallel_loop3A_195, %parallel_loop3A_202 : i32
      %parallel_loop3A_204 = arith.remsi %parallel_loop3A_186, %parallel_loop3A_187 : i32
      %parallel_loop3A_205 = arith.constant 0 : i32
      %parallel_loop3A_206 = arith.cmpi ne, %parallel_loop3A_204, %parallel_loop3A_205 : i32
      %parallel_loop3A_207 = arith.andi %parallel_loop3A_203, %parallel_loop3A_206 : i1
      %parallel_loop3A_208 = arith.constant 1 : i32
      %parallel_loop3A_209 = arith.subi %parallel_loop3A_188, %parallel_loop3A_208 : i32
      %parallel_loop3A_210 = arith.select %parallel_loop3A_207, %parallel_loop3A_209, %parallel_loop3A_188 : i32
      %parallel_loop3A_211 = arith.constant 8 : i32
      %parallel_loop3A_212 = arith.constant 0 : i32
      %parallel_loop3A_213 = arith.cmpi eq, %parallel_loop3A_211, %parallel_loop3A_212 : i32
      %parallel_loop3A_214 = arith.constant 1 : i32
      %parallel_loop3A_215 = arith.select %parallel_loop3A_213, %parallel_loop3A_214, %parallel_loop3A_211 : i32
      %parallel_loop3A_216 = arith.remsi %parallel_loop3A_186, %parallel_loop3A_215 : i32
      %parallel_loop3A_217 = arith.constant 0 : i32
      %parallel_loop3A_218 = arith.cmpi ne, %parallel_loop3A_216, %parallel_loop3A_217 : i32
      %parallel_loop3A_219 = arith.constant 0 : i32
      %parallel_loop3A_220 = arith.cmpi slt, %parallel_loop3A_216, %parallel_loop3A_219 : i32
      %parallel_loop3A_221 = arith.constant 0 : i32
      %parallel_loop3A_222 = arith.cmpi slt, %parallel_loop3A_215, %parallel_loop3A_221 : i32
      %parallel_loop3A_223 = arith.xori %parallel_loop3A_220, %parallel_loop3A_222 : i1
      %parallel_loop3A_224 = arith.andi %parallel_loop3A_223, %parallel_loop3A_218 : i1
      %parallel_loop3A_225 = arith.addi %parallel_loop3A_216, %parallel_loop3A_215 : i32
      %parallel_loop3A_226 = arith.select %parallel_loop3A_224, %parallel_loop3A_225, %parallel_loop3A_216 : i32
      %parallel_loop3A_227 = arith.constant 16 : i32
      %parallel_loop3A_228 = arith.muli %parallel_loop3A_226, %parallel_loop3A_227 : i32
      %parallel_loop3A_229 = tpu.assume_multiple %parallel_loop3A_228, 16 : i32
      %parallel_loop3A_230 = arith.constant 0 : i32
      %parallel_loop3A_231 = arith.addi %parallel_loop3A_230, %parallel_loop3A_210 : i32
      %parallel_loop3A_232 = arith.index_cast %parallel_loop3A_231 : i32 to index
      %parallel_loop3A_233 = arith.index_cast %parallel_loop3A_229 : i32 to index
      %parallel_loop3A_234 = tpu.vector_load %arg6[%parallel_loop3A_232, %parallel_loop3A_233] {strides = array<i32>} : memref<79x128xi32, #tpu.memory_space<vmem>>, vector<16xi32>,
      %parallel_loop3A_235 = arith.index_cast %parallel_loop3A_231 : i32 to index
      %parallel_loop3A_236 = arith.index_cast %parallel_loop3A_229 : i32 to index
      %parallel_loop3A_237 = tpu.vector_load %arg7[%parallel_loop3A_235, %parallel_loop3A_236] {strides = array<i32>} : memref<79x128xi32, #tpu.memory_space<vmem>>, vector<16xi32>,
      %parallel_loop3A_238 = tpu.vector_load_idx %arg5[%broadcast_in_dim3A_57, %parallel_loop3A_234] : memref<4x10000xf32, #tpu.memory_space<vmem>>[vector<16xi32>, vector<16xi32>], vector<16xf32>,
      %parallel_loop3A_239 = tpu.vector_load_idx %arg5[%add3A_63, %parallel_loop3A_237] : memref<4x10000xf32, #tpu.memory_space<vmem>>[vector<16xi32>, vector<16xi32>], vector<16xf32>,
      %parallel_loop3A_240 = arith.addf %parallel_loop3A_238, %parallel_loop3A_239 : vector<16xf32>
      %parallel_loop3A_241 = tpu.vector_load_idx %arg5[%add3A_60, %parallel_loop3A_234] : memref<4x10000xf32, #tpu.memory_space<vmem>>[vector<16xi32>, vector<16xi32>], vector<16xf32>,
      %parallel_loop3A_242 = tpu.vector_load_idx %arg5[%add3A_66, %parallel_loop3A_237] : memref<4x10000xf32, #tpu.memory_space<vmem>>[vector<16xi32>, vector<16xi32>], vector<16xf32>,
      %parallel_loop3A_243 = arith.addf %parallel_loop3A_241, %parallel_loop3A_242 : vector<16xf32>
      %parallel_loop3A_244 = vector.broadcast %parallel_loop3A_210 : i32 to vector<16xi32>
      %parallel_loop3A_245 = arith.addi %broadcast_in_dim3A_57, %parallel_loop3A_244 : vector<16xi32>
      %parallel_loop3A_246 = vector.broadcast %parallel_loop3A_229 : i32 to vector<16xi32>
      %parallel_loop3A_247 = arith.addi %iota3A, %parallel_loop3A_246 : vector<16xi32>
      %parallel_loop3A_248 = arith.constant 0 : i32
      %parallel_loop3A_249 = arith.constant 0 : i32
      %parallel_loop3A_250 = arith.constant 0 : i32
      %parallel_loop3A_251 = arith.constant 0 : i32
      %parallel_loop3A_252 = tpu.memref_slice %arg8[%parallel_loop3A_248, %parallel_loop3A_249, %parallel_loop3A_250, %parallel_loop3A_251] : memref<2x26x2x128xf32, #tpu.memory_space<vmem>> -> memref<1x26x2x128xf32, #tpu.memory_space<vmem>>
      %parallel_loop3A_253 = tpu.memref_squeeze %parallel_loop3A_252 : memref<1x26x2x128xf32, #tpu.memory_space<vmem>> -> memref<26x2x128xf32, #tpu.memory_space<vmem>>
      tpu.vector_store_idx %parallel_loop3A_253[%parallel_loop3A_245, %broadcast_in_dim3A_57, %parallel_loop3A_247], %parallel_loop3A_240 : memref<26x2x128xf32, #tpu.memory_space<vmem>>[vector<16xi32>, vector<16xi32>, vector<16xi32>], vector<16xf32>,
      %parallel_loop3A_254 = arith.constant 0 : i32
      %parallel_loop3A_255 = arith.constant 0 : i32
      %parallel_loop3A_256 = arith.constant 0 : i32
      %parallel_loop3A_257 = arith.constant 0 : i32
      %parallel_loop3A_258 = tpu.memref_slice %arg8[%parallel_loop3A_254, %parallel_loop3A_255, %parallel_loop3A_256, %parallel_loop3A_257] : memref<2x26x2x128xf32, #tpu.memory_space<vmem>> -> memref<1x26x2x128xf32, #tpu.memory_space<vmem>>
      %parallel_loop3A_259 = tpu.memref_squeeze %parallel_loop3A_258 : memref<1x26x2x128xf32, #tpu.memory_space<vmem>> -> memref<26x2x128xf32, #tpu.memory_space<vmem>>
      tpu.vector_store_idx %parallel_loop3A_259[%parallel_loop3A_245, %add3A_60, %parallel_loop3A_247], %parallel_loop3A_243 : memref<26x2x128xf32, #tpu.memory_space<vmem>>[vector<16xi32>, vector<16xi32>, vector<16xi32>], vector<16xf32>,
    } {sc.loop_unroll_factor = 4 : i64, sc.parallel_access}
    %add3A_69 = arith.constant 0 : i32
    %add3A_70 = arith.addi %add3A_5, %add3A_69 : i32
    %dma_start3A_71 = arith.constant 0 : i32
    %dma_start3A_72 = arith.constant 0 : i32
    %dma_start3A_73 = arith.constant 0 : i32
    %dma_start3A_74 = arith.constant 0 : i32
    %dma_start3A_75 = tpu.memref_slice %arg8[%dma_start3A_71, %dma_start3A_72, %dma_start3A_73, %dma_start3A_74] : memref<2x26x2x128xf32, #tpu.memory_space<vmem>> -> memref<1x26x2x128xf32, #tpu.memory_space<vmem>>
    %dma_start3A_76 = tpu.memref_squeeze %dma_start3A_75 : memref<1x26x2x128xf32, #tpu.memory_space<vmem>> -> memref<26x2x128xf32, #tpu.memory_space<vmem>>
    %dma_start3A_77 = arith.constant 0 : i32
    %dma_start3A_78 = arith.constant 0 : i32
    %dma_start3A_79 = tpu.memref_slice %arg4[%add3A_70, %dma_start3A_77, %dma_start3A_78] : memref<2500x2x128xf32, #tpu.memory_space<hbm>> -> memref<26x2x128xf32, #tpu.memory_space<hbm>>
    %dma_start3A_80 = arith.constant 0 : i32
    %dma_start3A_81 = arith.constant 0 : i32
    %dma_start3A_82 = tpu.memref_slice %arg4[%add3A_70, %dma_start3A_80, %dma_start3A_81] : memref<2500x2x128xf32, #tpu.memory_space<hbm>> -> memref<26x2x128xf32, #tpu.memory_space<hbm>>
    %dma_start3A_83 = arith.constant 0 : i32
    %dma_start3A_84 = arith.constant 0 : i32
    %dma_start3A_85 = arith.constant 0 : i32
    %dma_start3A_86 = tpu.memref_slice %arg8[%dma_start3A_71, %dma_start3A_83, %dma_start3A_84, %dma_start3A_85] : memref<2x26x2x128xf32, #tpu.memory_space<vmem>> -> memref<1x26x2x128xf32, #tpu.memory_space<vmem>>
    %dma_start3A_87 = tpu.memref_squeeze %dma_start3A_86 : memref<1x26x2x128xf32, #tpu.memory_space<vmem>> -> memref<26x2x128xf32, #tpu.memory_space<vmem>>
    tpu.enqueue_dma source(%dma_start3A_87 : memref<26x2x128xf32, #tpu.memory_space<vmem>>) target(%dma_start3A_82 : memref<26x2x128xf32, #tpu.memory_space<hbm>>) target_semaphore(%arg12 : memref<!tpu.dma_semaphore, #tpu.memory_space<semaphore_mem>>)
    %parallel_loop3A_88 = arith.constant 0 : i32
    %parallel_loop3A_89 = arith.constant 208 : i32
    %parallel_loop3A_90 = arith.constant 1 : i32
    scf.for %parallel_loop3A_186 = %parallel_loop3A_88 to %parallel_loop3A_89 step %parallel_loop3A_90  : i32 {
      %parallel_loop3A_187 = arith.constant 8 : i32
      %parallel_loop3A_188 = arith.divsi %parallel_loop3A_186, %parallel_loop3A_187 : i32
      %parallel_loop3A_189 = arith.constant 0 : i32
      %parallel_loop3A_190 = arith.cmpi sgt, %parallel_loop3A_186, %parallel_loop3A_189 : i32
      %parallel_loop3A_191 = arith.extui %parallel_loop3A_190 : i1 to i32
      %parallel_loop3A_192 = arith.constant 0 : i32
      %parallel_loop3A_193 = arith.cmpi slt, %parallel_loop3A_186, %parallel_loop3A_192 : i32
      %parallel_loop3A_194 = arith.extui %parallel_loop3A_193 : i1 to i32
      %parallel_loop3A_195 = arith.subi %parallel_loop3A_191, %parallel_loop3A_194 : i32
      %parallel_loop3A_196 = arith.constant 0 : i32
      %parallel_loop3A_197 = arith.cmpi sgt, %parallel_loop3A_187, %parallel_loop3A_196 : i32
      %parallel_loop3A_198 = arith.extui %parallel_loop3A_197 : i1 to i32
      %parallel_loop3A_199 = arith.constant 0 : i32
      %parallel_loop3A_200 = arith.cmpi slt, %parallel_loop3A_187, %parallel_loop3A_199 : i32
      %parallel_loop3A_201 = arith.extui %parallel_loop3A_200 : i1 to i32
      %parallel_loop3A_202 = arith.subi %parallel_loop3A_198, %parallel_loop3A_201 : i32
      %parallel_loop3A_203 = arith.cmpi ne, %parallel_loop3A_195, %parallel_loop3A_202 : i32
      %parallel_loop3A_204 = arith.remsi %parallel_loop3A_186, %parallel_loop3A_187 : i32
      %parallel_loop3A_205 = arith.constant 0 : i32
      %parallel_loop3A_206 = arith.cmpi ne, %parallel_loop3A_204, %parallel_loop3A_205 : i32
      %parallel_loop3A_207 = arith.andi %parallel_loop3A_203, %parallel_loop3A_206 : i1
      %parallel_loop3A_208 = arith.constant 1 : i32
      %parallel_loop3A_209 = arith.subi %parallel_loop3A_188, %parallel_loop3A_208 : i32
      %parallel_loop3A_210 = arith.select %parallel_loop3A_207, %parallel_loop3A_209, %parallel_loop3A_188 : i32
      %parallel_loop3A_211 = arith.constant 8 : i32
      %parallel_loop3A_212 = arith.constant 0 : i32
      %parallel_loop3A_213 = arith.cmpi eq, %parallel_loop3A_211, %parallel_loop3A_212 : i32
      %parallel_loop3A_214 = arith.constant 1 : i32
      %parallel_loop3A_215 = arith.select %parallel_loop3A_213, %parallel_loop3A_214, %parallel_loop3A_211 : i32
      %parallel_loop3A_216 = arith.remsi %parallel_loop3A_186, %parallel_loop3A_215 : i32
      %parallel_loop3A_217 = arith.constant 0 : i32
      %parallel_loop3A_218 = arith.cmpi ne, %parallel_loop3A_216, %parallel_loop3A_217 : i32
      %parallel_loop3A_219 = arith.constant 0 : i32
      %parallel_loop3A_220 = arith.cmpi slt, %parallel_loop3A_216, %parallel_loop3A_219 : i32
      %parallel_loop3A_221 = arith.constant 0 : i32
      %parallel_loop3A_222 = arith.cmpi slt, %parallel_loop3A_215, %parallel_loop3A_221 : i32
      %parallel_loop3A_223 = arith.xori %parallel_loop3A_220, %parallel_loop3A_222 : i1
      %parallel_loop3A_224 = arith.andi %parallel_loop3A_223, %parallel_loop3A_218 : i1
      %parallel_loop3A_225 = arith.addi %parallel_loop3A_216, %parallel_loop3A_215 : i32
      %parallel_loop3A_226 = arith.select %parallel_loop3A_224, %parallel_loop3A_225, %parallel_loop3A_216 : i32
      %parallel_loop3A_227 = arith.constant 16 : i32
      %parallel_loop3A_228 = arith.muli %parallel_loop3A_226, %parallel_loop3A_227 : i32
      %parallel_loop3A_229 = tpu.assume_multiple %parallel_loop3A_228, 16 : i32
      %parallel_loop3A_230 = arith.constant 26 : i32
      %parallel_loop3A_231 = arith.addi %parallel_loop3A_230, %parallel_loop3A_210 : i32
      %parallel_loop3A_232 = arith.index_cast %parallel_loop3A_231 : i32 to index
      %parallel_loop3A_233 = arith.index_cast %parallel_loop3A_229 : i32 to index
      %parallel_loop3A_234 = tpu.vector_load %arg6[%parallel_loop3A_232, %parallel_loop3A_233] {strides = array<i32>} : memref<79x128xi32, #tpu.memory_space<vmem>>, vector<16xi32>,
      %parallel_loop3A_235 = arith.index_cast %parallel_loop3A_231 : i32 to index
      %parallel_loop3A_236 = arith.index_cast %parallel_loop3A_229 : i32 to index
      %parallel_loop3A_237 = tpu.vector_load %arg7[%parallel_loop3A_235, %parallel_loop3A_236] {strides = array<i32>} : memref<79x128xi32, #tpu.memory_space<vmem>>, vector<16xi32>,
      %parallel_loop3A_238 = tpu.vector_load_idx %arg5[%broadcast_in_dim3A_57, %parallel_loop3A_234] : memref<4x10000xf32, #tpu.memory_space<vmem>>[vector<16xi32>, vector<16xi32>], vector<16xf32>,
      %parallel_loop3A_239 = tpu.vector_load_idx %arg5[%add3A_63, %parallel_loop3A_237] : memref<4x10000xf32, #tpu.memory_space<vmem>>[vector<16xi32>, vector<16xi32>], vector<16xf32>,
      %parallel_loop3A_240 = arith.addf %parallel_loop3A_238, %parallel_loop3A_239 : vector<16xf32>
      %parallel_loop3A_241 = tpu.vector_load_idx %arg5[%add3A_60, %parallel_loop3A_234] : memref<4x10000xf32, #tpu.memory_space<vmem>>[vector<16xi32>, vector<16xi32>], vector<16xf32>,
      %parallel_loop3A_242 = tpu.vector_load_idx %arg5[%add3A_66, %parallel_loop3A_237] : memref<4x10000xf32, #tpu.memory_space<vmem>>[vector<16xi32>, vector<16xi32>], vector<16xf32>,
      %parallel_loop3A_243 = arith.addf %parallel_loop3A_241, %parallel_loop3A_242 : vector<16xf32>
      %parallel_loop3A_244 = vector.broadcast %parallel_loop3A_210 : i32 to vector<16xi32>
      %parallel_loop3A_245 = arith.addi %broadcast_in_dim3A_57, %parallel_loop3A_244 : vector<16xi32>
      %parallel_loop3A_246 = vector.broadcast %parallel_loop3A_229 : i32 to vector<16xi32>
      %parallel_loop3A_247 = arith.addi %iota3A, %parallel_loop3A_246 : vector<16xi32>
      %parallel_loop3A_248 = arith.constant 1 : i32
      %parallel_loop3A_249 = arith.constant 0 : i32
      %parallel_loop3A_250 = arith.constant 0 : i32
      %parallel_loop3A_251 = arith.constant 0 : i32
      %parallel_loop3A_252 = tpu.memref_slice %arg8[%parallel_loop3A_248, %parallel_loop3A_249, %parallel_loop3A_250, %parallel_loop3A_251] : memref<2x26x2x128xf32, #tpu.memory_space<vmem>> -> memref<1x26x2x128xf32, #tpu.memory_space<vmem>>
      %parallel_loop3A_253 = tpu.memref_squeeze %parallel_loop3A_252 : memref<1x26x2x128xf32, #tpu.memory_space<vmem>> -> memref<26x2x128xf32, #tpu.memory_space<vmem>>
      tpu.vector_store_idx %parallel_loop3A_253[%parallel_loop3A_245, %broadcast_in_dim3A_57, %parallel_loop3A_247], %parallel_loop3A_240 : memref<26x2x128xf32, #tpu.memory_space<vmem>>[vector<16xi32>, vector<16xi32>, vector<16xi32>], vector<16xf32>,
      %parallel_loop3A_254 = arith.constant 1 : i32
      %parallel_loop3A_255 = arith.constant 0 : i32
      %parallel_loop3A_256 = arith.constant 0 : i32
      %parallel_loop3A_257 = arith.constant 0 : i32
      %parallel_loop3A_258 = tpu.memref_slice %arg8[%parallel_loop3A_254, %parallel_loop3A_255, %parallel_loop3A_256, %parallel_loop3A_257] : memref<2x26x2x128xf32, #tpu.memory_space<vmem>> -> memref<1x26x2x128xf32, #tpu.memory_space<vmem>>
      %parallel_loop3A_259 = tpu.memref_squeeze %parallel_loop3A_258 : memref<1x26x2x128xf32, #tpu.memory_space<vmem>> -> memref<26x2x128xf32, #tpu.memory_space<vmem>>
      tpu.vector_store_idx %parallel_loop3A_259[%parallel_loop3A_245, %add3A_60, %parallel_loop3A_247], %parallel_loop3A_243 : memref<26x2x128xf32, #tpu.memory_space<vmem>>[vector<16xi32>, vector<16xi32>, vector<16xi32>], vector<16xf32>,
    } {sc.loop_unroll_factor = 4 : i64, sc.parallel_access}
    %add3A_91 = arith.constant 26 : i32
    %add3A_92 = arith.addi %add3A_5, %add3A_91 : i32
    %dma_start3A_93 = arith.constant 1 : i32
    %dma_start3A_94 = arith.constant 0 : i32
    %dma_start3A_95 = arith.constant 0 : i32
    %dma_start3A_96 = arith.constant 0 : i32
    %dma_start3A_97 = tpu.memref_slice %arg8[%dma_start3A_93, %dma_start3A_94, %dma_start3A_95, %dma_start3A_96] : memref<2x26x2x128xf32, #tpu.memory_space<vmem>> -> memref<1x26x2x128xf32, #tpu.memory_space<vmem>>
    %dma_start3A_98 = tpu.memref_squeeze %dma_start3A_97 : memref<1x26x2x128xf32, #tpu.memory_space<vmem>> -> memref<26x2x128xf32, #tpu.memory_space<vmem>>
    %dma_start3A_99 = arith.constant 0 : i32
    %dma_start3A_100 = arith.constant 0 : i32
    %dma_start3A_101 = tpu.memref_slice %arg4[%add3A_92, %dma_start3A_99, %dma_start3A_100] : memref<2500x2x128xf32, #tpu.memory_space<hbm>> -> memref<26x2x128xf32, #tpu.memory_space<hbm>>
    %dma_start3A_102 = arith.constant 0 : i32
    %dma_start3A_103 = arith.constant 0 : i32
    %dma_start3A_104 = tpu.memref_slice %arg4[%add3A_92, %dma_start3A_102, %dma_start3A_103] : memref<2500x2x128xf32, #tpu.memory_space<hbm>> -> memref<26x2x128xf32, #tpu.memory_space<hbm>>
    %dma_start3A_105 = arith.constant 0 : i32
    %dma_start3A_106 = arith.constant 0 : i32
    %dma_start3A_107 = arith.constant 0 : i32
    %dma_start3A_108 = tpu.memref_slice %arg8[%dma_start3A_93, %dma_start3A_105, %dma_start3A_106, %dma_start3A_107] : memref<2x26x2x128xf32, #tpu.memory_space<vmem>> -> memref<1x26x2x128xf32, #tpu.memory_space<vmem>>
    %dma_start3A_109 = tpu.memref_squeeze %dma_start3A_108 : memref<1x26x2x128xf32, #tpu.memory_space<vmem>> -> memref<26x2x128xf32, #tpu.memory_space<vmem>>
    tpu.enqueue_dma source(%dma_start3A_109 : memref<26x2x128xf32, #tpu.memory_space<vmem>>) target(%dma_start3A_104 : memref<26x2x128xf32, #tpu.memory_space<hbm>>) target_semaphore(%arg12 : memref<!tpu.dma_semaphore, #tpu.memory_space<semaphore_mem>>)
    %dma_wait3A_110 = arith.constant 0 : i32
    %dma_wait3A_111 = arith.constant 0 : i32
    %dma_wait3A_112 = arith.constant 0 : i32
    %dma_wait3A_113 = arith.constant 0 : i32
    %dma_wait3A_114 = tpu.memref_slice %arg8[%dma_wait3A_110, %dma_wait3A_111, %dma_wait3A_112, %dma_wait3A_113] : memref<2x26x2x128xf32, #tpu.memory_space<vmem>> -> memref<1x26x2x128xf32, #tpu.memory_space<vmem>>
    %dma_wait3A_115 = tpu.memref_squeeze %dma_wait3A_114 : memref<1x26x2x128xf32, #tpu.memory_space<vmem>> -> memref<26x2x128xf32, #tpu.memory_space<vmem>>
    %dma_wait3A_116 = arith.constant 0 : i32
    %dma_wait3A_117 = arith.constant 0 : i32
    %dma_wait3A_118 = tpu.memref_slice %arg4[%add3A_70, %dma_wait3A_116, %dma_wait3A_117] : memref<2500x2x128xf32, #tpu.memory_space<hbm>> -> memref<26x2x128xf32, #tpu.memory_space<hbm>>
    %dma_wait3A_119 = arith.constant 0 : i32
    %dma_wait3A_120 = arith.constant 0 : i32
    %dma_wait3A_121 = tpu.memref_slice %arg4[%add3A_70, %dma_wait3A_119, %dma_wait3A_120] : memref<2500x2x128xf32, #tpu.memory_space<hbm>> -> memref<26x2x128xf32, #tpu.memory_space<hbm>>
    %dma_wait3A_122 = arith.constant 0 : i32
    %dma_wait3A_123 = arith.constant 0 : i32
    %dma_wait3A_124 = arith.constant 0 : i32
    %dma_wait3A_125 = tpu.memref_slice %arg8[%dma_wait3A_110, %dma_wait3A_122, %dma_wait3A_123, %dma_wait3A_124] : memref<2x26x2x128xf32, #tpu.memory_space<vmem>> -> memref<1x26x2x128xf32, #tpu.memory_space<vmem>>
    %dma_wait3A_126 = tpu.memref_squeeze %dma_wait3A_125 : memref<1x26x2x128xf32, #tpu.memory_space<vmem>> -> memref<26x2x128xf32, #tpu.memory_space<vmem>>
    tpu.wait_dma2 semaphore(%arg12 : memref<!tpu.dma_semaphore, #tpu.memory_space<semaphore_mem>>) src(%dma_wait3A_126 : memref<26x2x128xf32, #tpu.memory_space<vmem>>) dst(%dma_wait3A_121 : memref<26x2x128xf32, #tpu.memory_space<hbm>>)
    %parallel_loop3A_127 = arith.constant 0 : i32
    %parallel_loop3A_128 = arith.constant 208 : i32
    %parallel_loop3A_129 = arith.constant 1 : i32
    scf.for %parallel_loop3A_186 = %parallel_loop3A_127 to %parallel_loop3A_128 step %parallel_loop3A_129  : i32 {
      %parallel_loop3A_187 = arith.constant 8 : i32
      %parallel_loop3A_188 = arith.divsi %parallel_loop3A_186, %parallel_loop3A_187 : i32
      %parallel_loop3A_189 = arith.constant 0 : i32
      %parallel_loop3A_190 = arith.cmpi sgt, %parallel_loop3A_186, %parallel_loop3A_189 : i32
      %parallel_loop3A_191 = arith.extui %parallel_loop3A_190 : i1 to i32
      %parallel_loop3A_192 = arith.constant 0 : i32
      %parallel_loop3A_193 = arith.cmpi slt, %parallel_loop3A_186, %parallel_loop3A_192 : i32
      %parallel_loop3A_194 = arith.extui %parallel_loop3A_193 : i1 to i32
      %parallel_loop3A_195 = arith.subi %parallel_loop3A_191, %parallel_loop3A_194 : i32
      %parallel_loop3A_196 = arith.constant 0 : i32
      %parallel_loop3A_197 = arith.cmpi sgt, %parallel_loop3A_187, %parallel_loop3A_196 : i32
      %parallel_loop3A_198 = arith.extui %parallel_loop3A_197 : i1 to i32
      %parallel_loop3A_199 = arith.constant 0 : i32
      %parallel_loop3A_200 = arith.cmpi slt, %parallel_loop3A_187, %parallel_loop3A_199 : i32
      %parallel_loop3A_201 = arith.extui %parallel_loop3A_200 : i1 to i32
      %parallel_loop3A_202 = arith.subi %parallel_loop3A_198, %parallel_loop3A_201 : i32
      %parallel_loop3A_203 = arith.cmpi ne, %parallel_loop3A_195, %parallel_loop3A_202 : i32
      %parallel_loop3A_204 = arith.remsi %parallel_loop3A_186, %parallel_loop3A_187 : i32
      %parallel_loop3A_205 = arith.constant 0 : i32
      %parallel_loop3A_206 = arith.cmpi ne, %parallel_loop3A_204, %parallel_loop3A_205 : i32
      %parallel_loop3A_207 = arith.andi %parallel_loop3A_203, %parallel_loop3A_206 : i1
      %parallel_loop3A_208 = arith.constant 1 : i32
      %parallel_loop3A_209 = arith.subi %parallel_loop3A_188, %parallel_loop3A_208 : i32
      %parallel_loop3A_210 = arith.select %parallel_loop3A_207, %parallel_loop3A_209, %parallel_loop3A_188 : i32
      %parallel_loop3A_211 = arith.constant 8 : i32
      %parallel_loop3A_212 = arith.constant 0 : i32
      %parallel_loop3A_213 = arith.cmpi eq, %parallel_loop3A_211, %parallel_loop3A_212 : i32
      %parallel_loop3A_214 = arith.constant 1 : i32
      %parallel_loop3A_215 = arith.select %parallel_loop3A_213, %parallel_loop3A_214, %parallel_loop3A_211 : i32
      %parallel_loop3A_216 = arith.remsi %parallel_loop3A_186, %parallel_loop3A_215 : i32
      %parallel_loop3A_217 = arith.constant 0 : i32
      %parallel_loop3A_218 = arith.cmpi ne, %parallel_loop3A_216, %parallel_loop3A_217 : i32
      %parallel_loop3A_219 = arith.constant 0 : i32
      %parallel_loop3A_220 = arith.cmpi slt, %parallel_loop3A_216, %parallel_loop3A_219 : i32
      %parallel_loop3A_221 = arith.constant 0 : i32
      %parallel_loop3A_222 = arith.cmpi slt, %parallel_loop3A_215, %parallel_loop3A_221 : i32
      %parallel_loop3A_223 = arith.xori %parallel_loop3A_220, %parallel_loop3A_222 : i1
      %parallel_loop3A_224 = arith.andi %parallel_loop3A_223, %parallel_loop3A_218 : i1
      %parallel_loop3A_225 = arith.addi %parallel_loop3A_216, %parallel_loop3A_215 : i32
      %parallel_loop3A_226 = arith.select %parallel_loop3A_224, %parallel_loop3A_225, %parallel_loop3A_216 : i32
      %parallel_loop3A_227 = arith.constant 16 : i32
      %parallel_loop3A_228 = arith.muli %parallel_loop3A_226, %parallel_loop3A_227 : i32
      %parallel_loop3A_229 = tpu.assume_multiple %parallel_loop3A_228, 16 : i32
      %parallel_loop3A_230 = arith.constant 52 : i32
      %parallel_loop3A_231 = arith.addi %parallel_loop3A_230, %parallel_loop3A_210 : i32
      %parallel_loop3A_232 = arith.index_cast %parallel_loop3A_231 : i32 to index
      %parallel_loop3A_233 = arith.index_cast %parallel_loop3A_229 : i32 to index
      %parallel_loop3A_234 = tpu.vector_load %arg6[%parallel_loop3A_232, %parallel_loop3A_233] {strides = array<i32>} : memref<79x128xi32, #tpu.memory_space<vmem>>, vector<16xi32>,
      %parallel_loop3A_235 = arith.index_cast %parallel_loop3A_231 : i32 to index
      %parallel_loop3A_236 = arith.index_cast %parallel_loop3A_229 : i32 to index
      %parallel_loop3A_237 = tpu.vector_load %arg7[%parallel_loop3A_235, %parallel_loop3A_236] {strides = array<i32>} : memref<79x128xi32, #tpu.memory_space<vmem>>, vector<16xi32>,
      %parallel_loop3A_238 = tpu.vector_load_idx %arg5[%broadcast_in_dim3A_57, %parallel_loop3A_234] : memref<4x10000xf32, #tpu.memory_space<vmem>>[vector<16xi32>, vector<16xi32>], vector<16xf32>,
      %parallel_loop3A_239 = tpu.vector_load_idx %arg5[%add3A_63, %parallel_loop3A_237] : memref<4x10000xf32, #tpu.memory_space<vmem>>[vector<16xi32>, vector<16xi32>], vector<16xf32>,
      %parallel_loop3A_240 = arith.addf %parallel_loop3A_238, %parallel_loop3A_239 : vector<16xf32>
      %parallel_loop3A_241 = tpu.vector_load_idx %arg5[%add3A_60, %parallel_loop3A_234] : memref<4x10000xf32, #tpu.memory_space<vmem>>[vector<16xi32>, vector<16xi32>], vector<16xf32>,
      %parallel_loop3A_242 = tpu.vector_load_idx %arg5[%add3A_66, %parallel_loop3A_237] : memref<4x10000xf32, #tpu.memory_space<vmem>>[vector<16xi32>, vector<16xi32>], vector<16xf32>,
      %parallel_loop3A_243 = arith.addf %parallel_loop3A_241, %parallel_loop3A_242 : vector<16xf32>
      %parallel_loop3A_244 = vector.broadcast %parallel_loop3A_210 : i32 to vector<16xi32>
      %parallel_loop3A_245 = arith.addi %broadcast_in_dim3A_57, %parallel_loop3A_244 : vector<16xi32>
      %parallel_loop3A_246 = vector.broadcast %parallel_loop3A_229 : i32 to vector<16xi32>
      %parallel_loop3A_247 = arith.addi %iota3A, %parallel_loop3A_246 : vector<16xi32>
      %parallel_loop3A_248 = arith.constant 0 : i32
      %parallel_loop3A_249 = arith.constant 0 : i32
      %parallel_loop3A_250 = arith.constant 0 : i32
      %parallel_loop3A_251 = arith.constant 0 : i32
      %parallel_loop3A_252 = tpu.memref_slice %arg8[%parallel_loop3A_248, %parallel_loop3A_249, %parallel_loop3A_250, %parallel_loop3A_251] : memref<2x26x2x128xf32, #tpu.memory_space<vmem>> -> memref<1x26x2x128xf32, #tpu.memory_space<vmem>>
      %parallel_loop3A_253 = tpu.memref_squeeze %parallel_loop3A_252 : memref<1x26x2x128xf32, #tpu.memory_space<vmem>> -> memref<26x2x128xf32, #tpu.memory_space<vmem>>
      tpu.vector_store_idx %parallel_loop3A_253[%parallel_loop3A_245, %broadcast_in_dim3A_57, %parallel_loop3A_247], %parallel_loop3A_240 : memref<26x2x128xf32, #tpu.memory_space<vmem>>[vector<16xi32>, vector<16xi32>, vector<16xi32>], vector<16xf32>,
      %parallel_loop3A_254 = arith.constant 0 : i32
      %parallel_loop3A_255 = arith.constant 0 : i32
      %parallel_loop3A_256 = arith.constant 0 : i32
      %parallel_loop3A_257 = arith.constant 0 : i32
      %parallel_loop3A_258 = tpu.memref_slice %arg8[%parallel_loop3A_254, %parallel_loop3A_255, %parallel_loop3A_256, %parallel_loop3A_257] : memref<2x26x2x128xf32, #tpu.memory_space<vmem>> -> memref<1x26x2x128xf32, #tpu.memory_space<vmem>>
      %parallel_loop3A_259 = tpu.memref_squeeze %parallel_loop3A_258 : memref<1x26x2x128xf32, #tpu.memory_space<vmem>> -> memref<26x2x128xf32, #tpu.memory_space<vmem>>
      tpu.vector_store_idx %parallel_loop3A_259[%parallel_loop3A_245, %add3A_60, %parallel_loop3A_247], %parallel_loop3A_243 : memref<26x2x128xf32, #tpu.memory_space<vmem>>[vector<16xi32>, vector<16xi32>, vector<16xi32>], vector<16xf32>,
    } {sc.loop_unroll_factor = 4 : i64, sc.parallel_access}
    %add3A_130 = arith.constant 52 : i32
    %add3A_131 = arith.addi %add3A_5, %add3A_130 : i32
    %dma_start3A_132 = arith.constant 0 : i32
    %dma_start3A_133 = arith.constant 0 : i32
    %dma_start3A_134 = arith.constant 0 : i32
    %dma_start3A_135 = arith.constant 0 : i32
    %dma_start3A_136 = tpu.memref_slice %arg8[%dma_start3A_132, %dma_start3A_133, %dma_start3A_134, %dma_start3A_135] : memref<2x26x2x128xf32, #tpu.memory_space<vmem>> -> memref<1x26x2x128xf32, #tpu.memory_space<vmem>>
    %dma_start3A_137 = tpu.memref_squeeze %dma_start3A_136 : memref<1x26x2x128xf32, #tpu.memory_space<vmem>> -> memref<26x2x128xf32, #tpu.memory_space<vmem>>
    %dma_start3A_138 = arith.constant 0 : i32
    %dma_start3A_139 = arith.constant 0 : i32
    %dma_start3A_140 = tpu.memref_slice %arg4[%add3A_131, %dma_start3A_138, %dma_start3A_139] : memref<2500x2x128xf32, #tpu.memory_space<hbm>> -> memref<26x2x128xf32, #tpu.memory_space<hbm>>
    %dma_start3A_141 = arith.constant 0 : i32
    %dma_start3A_142 = arith.constant 0 : i32
    %dma_start3A_143 = tpu.memref_slice %arg4[%add3A_131, %dma_start3A_141, %dma_start3A_142] : memref<2500x2x128xf32, #tpu.memory_space<hbm>> -> memref<26x2x128xf32, #tpu.memory_space<hbm>>
    %dma_start3A_144 = arith.constant 0 : i32
    %dma_start3A_145 = arith.constant 0 : i32
    %dma_start3A_146 = arith.constant 0 : i32
    %dma_start3A_147 = tpu.memref_slice %arg8[%dma_start3A_132, %dma_start3A_144, %dma_start3A_145, %dma_start3A_146] : memref<2x26x2x128xf32, #tpu.memory_space<vmem>> -> memref<1x26x2x128xf32, #tpu.memory_space<vmem>>
    %dma_start3A_148 = tpu.memref_squeeze %dma_start3A_147 : memref<1x26x2x128xf32, #tpu.memory_space<vmem>> -> memref<26x2x128xf32, #tpu.memory_space<vmem>>
    tpu.enqueue_dma source(%dma_start3A_148 : memref<26x2x128xf32, #tpu.memory_space<vmem>>) target(%dma_start3A_143 : memref<26x2x128xf32, #tpu.memory_space<hbm>>) target_semaphore(%arg12 : memref<!tpu.dma_semaphore, #tpu.memory_space<semaphore_mem>>)
    %convert_element_type3A_149 = arith.extui %lt3A_1 : i1 to i32
    %cond3A_150 = arith.constant 0 : i32
    %cond3A_151 = arith.cmpi ne, %convert_element_type3A_149, %cond3A_150 : i32
    scf.if %cond3A_151 {
      %parallel_loop3A_186 = arith.constant 0 : i32
      %parallel_loop3A_187 = arith.constant 8 : i32
      %parallel_loop3A_188 = arith.constant 1 : i32
      scf.for %parallel_loop3A_203 = %parallel_loop3A_186 to %parallel_loop3A_187 step %parallel_loop3A_188  : i32 {
        %parallel_loop3A_204 = arith.constant 16 : i32
        %parallel_loop3A_205 = arith.muli %parallel_loop3A_203, %parallel_loop3A_204 : i32
        %parallel_loop3A_206 = tpu.assume_multiple %parallel_loop3A_205, 16 : i32
        %parallel_loop3A_207 = arith.constant 78 : i32
        %parallel_loop3A_208 = arith.index_cast %parallel_loop3A_207 : i32 to index
        %parallel_loop3A_209 = arith.index_cast %parallel_loop3A_206 : i32 to index
        %parallel_loop3A_210 = tpu.vector_load %arg6[%parallel_loop3A_208, %parallel_loop3A_209] {strides = array<i32>} : memref<79x128xi32, #tpu.memory_space<vmem>>, vector<16xi32>,
        %parallel_loop3A_211 = arith.constant 78 : i32
        %parallel_loop3A_212 = arith.index_cast %parallel_loop3A_211 : i32 to index
        %parallel_loop3A_213 = arith.index_cast %parallel_loop3A_206 : i32 to index
        %parallel_loop3A_214 = tpu.vector_load %arg7[%parallel_loop3A_212, %parallel_loop3A_213] {strides = array<i32>} : memref<79x128xi32, #tpu.memory_space<vmem>>, vector<16xi32>,
        %parallel_loop3A_215 = tpu.vector_load_idx %arg5[%broadcast_in_dim3A_57, %parallel_loop3A_210] : memref<4x10000xf32, #tpu.memory_space<vmem>>[vector<16xi32>, vector<16xi32>], vector<16xf32>,
        %parallel_loop3A_216 = tpu.vector_load_idx %arg5[%add3A_63, %parallel_loop3A_214] : memref<4x10000xf32, #tpu.memory_space<vmem>>[vector<16xi32>, vector<16xi32>], vector<16xf32>,
        %parallel_loop3A_217 = arith.addf %parallel_loop3A_215, %parallel_loop3A_216 : vector<16xf32>
        %parallel_loop3A_218 = tpu.vector_load_idx %arg5[%add3A_60, %parallel_loop3A_210] : memref<4x10000xf32, #tpu.memory_space<vmem>>[vector<16xi32>, vector<16xi32>], vector<16xf32>,
        %parallel_loop3A_219 = tpu.vector_load_idx %arg5[%add3A_66, %parallel_loop3A_214] : memref<4x10000xf32, #tpu.memory_space<vmem>>[vector<16xi32>, vector<16xi32>], vector<16xf32>,
        %parallel_loop3A_220 = arith.addf %parallel_loop3A_218, %parallel_loop3A_219 : vector<16xf32>
        %parallel_loop3A_221 = arith.constant 0 : i32
        %parallel_loop3A_222 = vector.broadcast %parallel_loop3A_221 : i32 to vector<16xi32>
        %parallel_loop3A_223 = arith.addi %broadcast_in_dim3A_57, %parallel_loop3A_222 : vector<16xi32>
        %parallel_loop3A_224 = vector.broadcast %parallel_loop3A_206 : i32 to vector<16xi32>
        %parallel_loop3A_225 = arith.addi %iota3A, %parallel_loop3A_224 : vector<16xi32>
        tpu.vector_store_idx %arg9[%parallel_loop3A_223, %broadcast_in_dim3A_57, %parallel_loop3A_225], %parallel_loop3A_217 : memref<1x2x128xf32, #tpu.memory_space<vmem>>[vector<16xi32>, vector<16xi32>, vector<16xi32>], vector<16xf32>,
        tpu.vector_store_idx %arg9[%parallel_loop3A_223, %add3A_60, %parallel_loop3A_225], %parallel_loop3A_220 : memref<1x2x128xf32, #tpu.memory_space<vmem>>[vector<16xi32>, vector<16xi32>, vector<16xi32>], vector<16xf32>,
      } {sc.loop_unroll_factor = 4 : i64, sc.parallel_access}
      %add3A_189 = arith.constant 78 : i32
      %add3A_190 = arith.addi %add3A_5, %add3A_189 : i32
      %dma_start3A_191 = arith.constant 0 : i32
      %dma_start3A_192 = arith.constant 0 : i32
      %dma_start3A_193 = tpu.memref_slice %arg4[%add3A_190, %dma_start3A_191, %dma_start3A_192] : memref<2500x2x128xf32, #tpu.memory_space<hbm>> -> memref<1x2x128xf32, #tpu.memory_space<hbm>>
      %dma_start3A_194 = arith.constant 0 : i32
      %dma_start3A_195 = arith.constant 0 : i32
      %dma_start3A_196 = tpu.memref_slice %arg4[%add3A_190, %dma_start3A_194, %dma_start3A_195] : memref<2500x2x128xf32, #tpu.memory_space<hbm>> -> memref<1x2x128xf32, #tpu.memory_space<hbm>>
      tpu.enqueue_dma source(%arg9 : memref<1x2x128xf32, #tpu.memory_space<vmem>>) target(%dma_start3A_196 : memref<1x2x128xf32, #tpu.memory_space<hbm>>) target_semaphore(%arg12 : memref<!tpu.dma_semaphore, #tpu.memory_space<semaphore_mem>>)
      %dma_wait3A_197 = arith.constant 0 : i32
      %dma_wait3A_198 = arith.constant 0 : i32
      %dma_wait3A_199 = tpu.memref_slice %arg4[%add3A_190, %dma_wait3A_197, %dma_wait3A_198] : memref<2500x2x128xf32, #tpu.memory_space<hbm>> -> memref<1x2x128xf32, #tpu.memory_space<hbm>>
      %dma_wait3A_200 = arith.constant 0 : i32
      %dma_wait3A_201 = arith.constant 0 : i32
      %dma_wait3A_202 = tpu.memref_slice %arg4[%add3A_190, %dma_wait3A_200, %dma_wait3A_201] : memref<2500x2x128xf32, #tpu.memory_space<hbm>> -> memref<1x2x128xf32, #tpu.memory_space<hbm>>
      tpu.wait_dma2 semaphore(%arg12 : memref<!tpu.dma_semaphore, #tpu.memory_space<semaphore_mem>>) src(%arg9 : memref<1x2x128xf32, #tpu.memory_space<vmem>>) dst(%dma_wait3A_202 : memref<1x2x128xf32, #tpu.memory_space<hbm>>)
    } else {
    }
    %dma_wait3A_152 = arith.constant 0 : i32
    %dma_wait3A_153 = arith.constant 0 : i32
    %dma_wait3A_154 = arith.constant 0 : i32
    %dma_wait3A_155 = arith.constant 0 : i32
    %dma_wait3A_156 = tpu.memref_slice %arg8[%dma_wait3A_152, %dma_wait3A_153, %dma_wait3A_154, %dma_wait3A_155] : memref<2x26x2x128xf32, #tpu.memory_space<vmem>> -> memref<1x26x2x128xf32, #tpu.memory_space<vmem>>
    %dma_wait3A_157 = tpu.memref_squeeze %dma_wait3A_156 : memref<1x26x2x128xf32, #tpu.memory_space<vmem>> -> memref<26x2x128xf32, #tpu.memory_space<vmem>>
    %dma_wait3A_158 = arith.constant 0 : i32
    %dma_wait3A_159 = arith.constant 0 : i32
    %dma_wait3A_160 = tpu.memref_slice %arg4[%add3A_131, %dma_wait3A_158, %dma_wait3A_159] : memref<2500x2x128xf32, #tpu.memory_space<hbm>> -> memref<26x2x128xf32, #tpu.memory_space<hbm>>
    %dma_wait3A_161 = arith.constant 0 : i32
    %dma_wait3A_162 = arith.constant 0 : i32
    %dma_wait3A_163 = tpu.memref_slice %arg4[%add3A_131, %dma_wait3A_161, %dma_wait3A_162] : memref<2500x2x128xf32, #tpu.memory_space<hbm>> -> memref<26x2x128xf32, #tpu.memory_space<hbm>>
    %dma_wait3A_164 = arith.constant 0 : i32
    %dma_wait3A_165 = arith.constant 0 : i32
    %dma_wait3A_166 = arith.constant 0 : i32
    %dma_wait3A_167 = tpu.memref_slice %arg8[%dma_wait3A_152, %dma_wait3A_164, %dma_wait3A_165, %dma_wait3A_166] : memref<2x26x2x128xf32, #tpu.memory_space<vmem>> -> memref<1x26x2x128xf32, #tpu.memory_space<vmem>>
    %dma_wait3A_168 = tpu.memref_squeeze %dma_wait3A_167 : memref<1x26x2x128xf32, #tpu.memory_space<vmem>> -> memref<26x2x128xf32, #tpu.memory_space<vmem>>
    tpu.wait_dma2 semaphore(%arg12 : memref<!tpu.dma_semaphore, #tpu.memory_space<semaphore_mem>>) src(%dma_wait3A_168 : memref<26x2x128xf32, #tpu.memory_space<vmem>>) dst(%dma_wait3A_163 : memref<26x2x128xf32, #tpu.memory_space<hbm>>)
    %dma_wait3A_169 = arith.constant 1 : i32
    %dma_wait3A_170 = arith.constant 0 : i32
    %dma_wait3A_171 = arith.constant 0 : i32
    %dma_wait3A_172 = arith.constant 0 : i32
    %dma_wait3A_173 = tpu.memref_slice %arg8[%dma_wait3A_169, %dma_wait3A_170, %dma_wait3A_171, %dma_wait3A_172] : memref<2x26x2x128xf32, #tpu.memory_space<vmem>> -> memref<1x26x2x128xf32, #tpu.memory_space<vmem>>
    %dma_wait3A_174 = tpu.memref_squeeze %dma_wait3A_173 : memref<1x26x2x128xf32, #tpu.memory_space<vmem>> -> memref<26x2x128xf32, #tpu.memory_space<vmem>>
    %dma_wait3A_175 = arith.constant 0 : i32
    %dma_wait3A_176 = arith.constant 0 : i32
    %dma_wait3A_177 = tpu.memref_slice %arg4[%add3A_92, %dma_wait3A_175, %dma_wait3A_176] : memref<2500x2x128xf32, #tpu.memory_space<hbm>> -> memref<26x2x128xf32, #tpu.memory_space<hbm>>
    %dma_wait3A_178 = arith.constant 0 : i32
    %dma_wait3A_179 = arith.constant 0 : i32
    %dma_wait3A_180 = tpu.memref_slice %arg4[%add3A_92, %dma_wait3A_178, %dma_wait3A_179] : memref<2500x2x128xf32, #tpu.memory_space<hbm>> -> memref<26x2x128xf32, #tpu.memory_space<hbm>>
    %dma_wait3A_181 = arith.constant 0 : i32
    %dma_wait3A_182 = arith.constant 0 : i32
    %dma_wait3A_183 = arith.constant 0 : i32
    %dma_wait3A_184 = tpu.memref_slice %arg8[%dma_wait3A_169, %dma_wait3A_181, %dma_wait3A_182, %dma_wait3A_183] : memref<2x26x2x128xf32, #tpu.memory_space<vmem>> -> memref<1x26x2x128xf32, #tpu.memory_space<vmem>>
    %dma_wait3A_185 = tpu.memref_squeeze %dma_wait3A_184 : memref<1x26x2x128xf32, #tpu.memory_space<vmem>> -> memref<26x2x128xf32, #tpu.memory_space<vmem>>
    tpu.wait_dma2 semaphore(%arg12 : memref<!tpu.dma_semaphore, #tpu.memory_space<semaphore_mem>>) src(%dma_wait3A_185 : memref<26x2x128xf32, #tpu.memory_space<vmem>>) dst(%dma_wait3A_180 : memref<26x2x128xf32, #tpu.memory_space<hbm>>)
    return
  }
}

module attributes {stable_mosaic.version = 14 : i64} {
  func.func @_proj_body(%arg0: memref<10000x128xf32, #tpu.memory_space<vmem>>, %arg1: memref<2x256xf32, #tpu.memory_space<vmem>>, %arg2: memref<1x2xf32, #tpu.memory_space<vmem>>, %arg3: memref<4x10000xf32, #tpu.memory_space<vmem>>) attributes {dimension_semantics = [], scalar_prefetch = 0 : i64, scratch_operands = 0 : i64, tpu.core_type = #tpu.core_type<tc>} {
    %get3A = arith.constant 0 : index
    %get3A_0 = arith.constant 0 : index
    %get3A_1 = vector.load %arg1[%get3A, %get3A_0] : memref<2x256xf32, #tpu.memory_space<vmem>>, vector<2x128xf32>
    %get3A_2 = arith.constant 0 : index
    %get3A_3 = arith.constant 128 : index
    %get3A_4 = vector.load %arg1[%get3A_2, %get3A_3] : memref<2x256xf32, #tpu.memory_space<vmem>>, vector<2x128xf32>
    %concatenate3A = tpu.concatenate %get3A_1, %get3A_4 in 0 : vector<2x128xf32>, vector<2x128xf32> -> vector<4x128xf32>
    %get3A_5 = arith.constant 0 : index
    %get3A_6 = arith.constant 0 : index
    %get3A_7 = vector.load %arg2[%get3A_5, %get3A_6] : memref<1x2xf32, #tpu.memory_space<vmem>>, vector<1x2xf32>
    %transpose3A = tpu.transpose %get3A_7, [1, 0] : vector<1x2xf32> -> vector<2x1xf32>
    %broadcast_in_dim3A = arith.constant 0.000000e+00 : f32
    %broadcast_in_dim3A_8 = vector.broadcast %broadcast_in_dim3A : f32 to vector<2x1xf32>
    %concatenate3A_9 = tpu.concatenate %transpose3A, %broadcast_in_dim3A_8 in 0 : vector<2x1xf32>, vector<2x1xf32> -> vector<4x1xf32>
    %get3A_10 = arith.constant 0 : index
    %get3A_11 = arith.constant 0 : index
    %get3A_12 = vector.load %arg0[%get3A_10, %get3A_11] : memref<10000x128xf32, #tpu.memory_space<vmem>>, vector<10000x128xf32>
    %dot_general3A = arith.constant dense<0.000000e+00> : vector<4x10000xf32>
    %dot_general3A_13 = tpu.matmul %concatenate3A, %get3A_12, %dot_general3A {dimension_numbers = #tpu.dot_dimension_numbers<[1], [1], [0], [0], [0, 0, 1, 0], [], []>, transpose_lhs_hint = false} : vector<4x128xf32>, vector<10000x128xf32>, vector<4x10000xf32> -> vector<4x10000xf32>
    %add3A = vector.broadcast %concatenate3A_9 : vector<4x1xf32> to vector<4x10000xf32>
    %add3A_14 = arith.addf %dot_general3A_13, %add3A : vector<4x10000xf32>
    %swap3A = arith.constant 0 : index
    %swap3A_15 = arith.constant 0 : index
    %swap3A_16 = vector.load %arg3[%swap3A, %swap3A_15] : memref<4x10000xf32, #tpu.memory_space<vmem>>, vector<4x10000xf32>
    tpu.vector_store %arg3[%swap3A, %swap3A_15], %add3A_14 {strides = array<i32>} : memref<4x10000xf32, #tpu.memory_space<vmem>>, vector<4x10000xf32>,
    return
  }
}

</mosaic_0001>

<sc_bundles>
// kernel: kernel.4.cloned.1.call-start
scs
__scs_entry_jumppad:
0x0: {  	(pc) =	sbr.rel $0x88, $3  }
0x1: {  	(tag) =	ssettag $0x0;
	lr =	simm.s32 $0x1  }
0x2: {  	[smem:$0x3F9D] =	sst lr;
	_ =	strace $0xD0000000  }
0x3: {  	_ = 	snop  }
0x4: {  	_ = 	snop  }
0x5: {  	_ = 	snop  }
0x6: {  	_ = 	snop  }
0x7: {  	_ = 	snop  }
__scs_overlays_trampoline_lowered:
0x8: {  	[smem:$0x3FAC] =	sst s0  }
0x9: {  	[smem:$0x3FAD] =	sst s1  }
0xa: {  	[smem:$0x3FAE] =	sst s2  }
0xb: {  	[smem:$0x3FAF] =	sst s3  }
0xc: {  	[smem:$0x3FB0] =	sst s4  }
0xd: {  	[smem:$0x3FB1] =	sst s5  }
0xe: {  	[smem:$0x3FB2] =	sst s6  }
0xf: {  	[smem:$0x3FB3] =	sst s7  }
0x10: {  	[smem:$0x3FB4] =	sst s8  }
0x11: {  	[smem:$0x3FB5] =	sst s9;
	s0 =	simm.s32 @!p0 $0x0  }
0x12: {  	s1 =	sld [smem:$0x3F9B];
	s0 =	simm.s32 @p0 $0x1  }
0x13: {  	[smem:$0x3FB6] =	sst s0;
	s0 =	simm.s32 @!p1 $0x0  }
0x14: {  	s2 =	sld [smem:$0x3F9A];
	s0 =	simm.s32 @p1 $0x1  }
0x15: {  	[smem:$0x3FB7] =	sst s0;
	s0 =	simm.s32 @!p2 $0x0  }
0x16: {  	s3 =	sld [smem:$0x3FDB];
	s0 =	simm.s32 @p2 $0x1  }
0x17: {  	s4 =	simm.s32 $0x1BF5;
	[smem:$0x3FB9] =	sst s0  }
0x18: {  	s0 =	sld [smem:$0x3F9C];
	_ =	swait.ge [sflag:s4], $0x0  }
0x19: {  	s7 =	sld [smem:$0x3F9D]  }
0x1a: {  	s8 =	sadd.s32 $0xFFFFE003, lr  }
0x1b: {  	s9 =	sadd.s32 $0xFFFFFEF7, lr;
	s5 =	simm.s32 $0xFFFFFFFF;
	p2 =	slt.u32 s8, $0xFFFFF086  }
0x1c: {  	p1 =	slt.u32 s9, $0xF7A;
	s5 =	simm.s32 @!p2 $0x0  }
0x1d: {  	s5 =	simm.s32 @p1 $0x1;
	p0 =	seq.s32 s7, s2  }
0x1e: {  	s7 =	smul.u32 @!p0 $0xF7A, s2;
	p2 =	seq.s32 @!p0 s5, $0x0  }
0x1f: {  	s9 =	smul.u32 $0xF7A, s1;
	s8 =	simm.s32 @!p0 $0x1BF5;
	p2 =	por !p2, p0  }
0x20: {  	[sflag:s8] =	ssyncset.s32 @!p0 $0xFFFFF086;
	s6 =	sadd.s32 @!p0 s3, s7;
	s7 =	simm.s32 @!p0 $0x108  }
0x21: {  	s3 =	sadd.s32 s3, s9;
	s6 =	sadd.s32 @!p0 $0x88, s6;
	s7 =	simm.s32 @p2 $0x1082  }
0x22: {  	[simem:s7], [sflag:s8] =	dma.local @!p0 [hbm:s6], $0xF7A  }
0x23: {  	s9 =	sor.u32 $0xD0000000, s2;
	s6 =	simm.s32 $0x108;
	_ =	swait.ge @!p0 [sflag:s8], $0x0  }
0x24: {  	s3 =	sadd.s32 $0x88, s3;
	s6 =	simm.s32 @!p1 $0x1082;
	[sflag:s4] =	ssyncset.s32 $0xFFFFF086  }
0x25: {  	[simem:s6], [sflag:s4] =	dma.local [hbm:s3], $0xF7A  }
0x26: {  	[smem:$0x3F9D] =	sst s1;
	(tag) =	ssettag s2;
	_ =	strace s9  }
0x27: {  	s1 =	sld [smem:$0x3FAD]  }
0x28: {  	s2 =	sld [smem:$0x3FAE]  }
0x29: {  	s4 =	sld [smem:$0x3FB0]  }
0x2a: {  	p0 =	seq.s32 s5, $0x0;
	s5 =	sld [smem:$0x3FB1]  }
0x2b: {  	s6 =	sld [smem:$0x3FB2]  }
0x2c: {  	s7 =	sld [smem:$0x3FB3]  }
0x2d: {  	s3 =	simm.s32 $0x108;
	s8 =	sld [smem:$0x3FB4]  }
0x2e: {  	s3 =	simm.s32 @!p0 $0x1082;
	s9 =	sld [smem:$0x3FB5]  }
0x2f: {  	lr =	sadd.s32 s0, s3;
	s0 =	sld [smem:$0x3FAC]  }
0x30: {  	s3 =	sld [smem:$0x3FAF]  }
0x31: {  	[smem:$0x3FB8] =	sst s10  }
0x32: {  	s10 =	sld [smem:$0x3FB6];
	_ =	sdelay $0x3  }
0x33: {  	p0 =	seq.s32 s10, $0x1;
	s10 =	sld [smem:$0x3FB8];
	_ =	sdelay $0x3  }
0x34: {  	[smem:$0x3FB8] =	sst s10  }
0x35: {  	s10 =	sld [smem:$0x3FB7];
	_ =	sdelay $0x3  }
0x36: {  	p1 =	seq.s32 s10, $0x1;
	s10 =	sld [smem:$0x3FB8];
	_ =	sdelay $0x3  }
0x37: {  	[smem:$0x3FB8] =	sst s10  }
0x38: {  	s10 =	sld [smem:$0x3FB9]  }
0x39: {  	_ = 	snop;
	(pc) =	sbr.ind lr, $3  }
0x3a: {  	_ = 	snop  }
0x3b: {  	_ = 	snop  }
0x3c: {  	p2 =	seq.s32 s10, $0x1;
	s10 =	sld [smem:$0x3FB8]  }
0x3d: {  	_ =	shalt  }
0x3e: {  	_ =	shalt  }
0x3f: {  	_ =	shalt  }
0x40: {  	_ =	shalt  }
0x41: {  	_ =	shalt  }
0x42: {  	_ =	shalt  }
0x43: {  	_ =	shalt  }
0x44: {  	_ =	shalt  }
0x45: {  	_ =	shalt  }
0x46: {  	_ =	shalt  }
0x47: {  	_ =	shalt  }
0x48: {  	_ =	shalt  }
0x49: {  	_ =	shalt  }
0x4a: {  	_ =	shalt  }
0x4b: {  	_ =	shalt  }
0x4c: {  	_ =	shalt  }
0x4d: {  	_ =	shalt  }
0x4e: {  	_ =	shalt  }
0x4f: {  	_ =	shalt  }
0x50: {  	_ =	shalt  }
0x51: {  	_ =	shalt  }
0x52: {  	_ =	shalt  }
0x53: {  	_ =	shalt  }
0x54: {  	_ =	shalt  }
0x55: {  	_ =	shalt  }
0x56: {  	_ =	shalt  }
0x57: {  	_ =	shalt  }
0x58: {  	_ =	shalt  }
0x59: {  	_ =	shalt  }
0x5a: {  	_ =	shalt  }
0x5b: {  	_ =	shalt  }
0x5c: {  	_ =	shalt  }
0x5d: {  	_ =	shalt  }
0x5e: {  	_ =	shalt  }
0x5f: {  	_ =	shalt  }
0x60: {  	_ =	shalt  }
0x61: {  	_ =	shalt  }
0x62: {  	_ =	shalt  }
0x63: {  	_ =	shalt  }
0x64: {  	_ =	shalt  }
0x65: {  	_ =	shalt  }
0x66: {  	_ =	shalt  }
0x67: {  	_ =	shalt  }
0x68: {  	_ =	shalt  }
0x69: {  	_ =	shalt  }
0x6a: {  	_ =	shalt  }
0x6b: {  	_ =	shalt  }
0x6c: {  	_ =	shalt  }
0x6d: {  	_ =	shalt  }
0x6e: {  	_ =	shalt  }
0x6f: {  	_ =	shalt  }
0x70: {  	_ =	shalt  }
0x71: {  	_ =	shalt  }
0x72: {  	_ =	shalt  }
0x73: {  	_ =	shalt  }
0x74: {  	_ =	shalt  }
0x75: {  	_ =	shalt  }
0x76: {  	_ =	shalt  }
0x77: {  	_ =	shalt  }
0x78: {  	_ =	shalt  }
0x79: {  	_ =	shalt  }
0x7a: {  	_ =	shalt  }
0x7b: {  	_ =	shalt  }
0x7c: {  	_ =	shalt  }
0x7d: {  	_ =	shalt  }
0x7e: {  	_ =	shalt  }
0x7f: {  	_ =	shalt  }
0x80: {  	_ =	shalt  }
0x81: {  	_ =	shalt  }
0x82: {  	_ =	shalt  }
0x83: {  	_ =	shalt  }
0x84: {  	_ =	shalt  }
0x85: {  	_ =	shalt  }
0x86: {  	_ =	shalt  }
0x87: {  	_ =	shalt  }
.Lfunc_end0:
.L_simem_size_0:
called_computation_lowered:
.L_overlay_start_0:
0x88: {  	s2 =	sld [smem:$0x3FD9]  }
0x89: {  	s3 =	sld [smem:$0x3FFE];
	_ =	sdelay $0x1  }
0x8a: {  	s1 =	srdreg.scid  }
0x8b: {  	s0 =	sand.u32 $0x1, s1  }
0x8c: {  	s17 =	sshll.u32 s0, $0xA;
	s2 =	sadd.s32 s3, s2  }
0x8d: {  	s2 =	sadd.s32 s2, s17  }
0x8e: {  	[smem:$0x3FC4] =	sst s2  }
0x8f: {  	_ = 	snop  }
0x90: {  	s2 =	sld [smem:$0x3FC8]  }
0x91: {  	s18 =	sld [smem:$0x3FD0];
	(tm) =	ssettm $0x1  }
0x92: {  	s4 =	sld [smem:$0x3FFB];
	_ =	sdelay $0x3  }
0x93: {  	_ =	strace s4  }
0x94: {  	s4 =	sld [smem:$0x3FFC];
	_ =	sdelay $0x3  }
0x95: {  	_ =	strace s4  }
0x96: {  	s4 =	sld [smem:$0x3FFD];
	_ =	sdelay $0x3  }
0x97: {  	_ =	strace s4  }
0x98: {  	_ =	strace $0x8FFFFFFF  }
0x99: {  	s19 =	sld [smem:$0x3FDB];
	_ =	sdelay $0x1  }
0x9a: {  	s5 =	simm.s32 $_scs_section_size  }
0x9b: {  	s6 =	simm.s32 $_size__tile_overlayer_lowered;
	s7 =	simm.s32 $_tile_overlayer_lowered  }
0x9c: {  	s22 =	simm.s32 $0x1BFF;
	s21 =	sshll.u32 s7, $0x1;
	s4 =	sadd.s32 s5, s19  }
0x9d: {  	s8 =	simm.s32 $0x0;
	s20 =	sshll.u32 s6, $0x1;
	s6 =	sadd.s32 s21, s4  }
0x9e: {  	[timem:s8], [sflag:s22] =	dma.local [hbm:s6], s20  }
0x9f: {  	_ =	swait.ge [sflag:s22], s20  }
0xa0: {  	s5 =	ssub.s32 $0x0, s20;
	[sflag:s22] =	ssyncset.done $0x0  }
0xa1: {  	[sflag:s22] =	ssyncadd.s32 s5;
	_ =	sdelay $0x1  }
0xa2: {  	s23 =	simm.s32 $0x1B8B  }
0xa3: {  	_ =	swait.ge [sflag:s23], $0x1  }
0xa4: {  	[sflag:s23] =	ssyncset.done $0x0  }
0xa5: {  	s25 =	simm.s32 $0x1B8E;
	s24 =	sld [smem:$0x3FFE];
	[sflag:s23] =	ssyncadd.s32 $0xFFFFFFFF  }
0xa6: {  	s26 =	simm.s32 $execute0_lowered;
	[smem:$0x3FD2] =	sst s25  }
0xa7: {  	s6 =	sshll.u32 s26, $0x1;
	_ =	strace $0x80000046;
	[dreg:$0x1] =	wrdreg $0xFFFFFFFF  }
0xa8: {  	s28 =	simm.s32 $_size_execute0_lowered;
	s4 =	sadd.s32 s4, s6;
	[dreg:$0x0] =	wrdreg $0x0  }
0xa9: {  	s6 =	sshll.u32 s28, $0x1;
	[dreg:$0x2] =	wrdreg s4  }
0xaa: {  	[dreg:$0x3] =	wrdreg s6  }
0xab: {  	[dreg:$0x4] =	wrdreg $0xC0  }
0xac: {  	_ =	task [dreg:s8], $0x5FFFF  }
0xad: {  	[dreg:$0x1] =	wrdreg $0xFFFFFFFF  }
0xae: {  	[dreg:$0x0] =	wrdreg $0x60  }
0xaf: {  	[dreg:$0x2] =	wrdreg s24  }
0xb0: {  	[dreg:$0x3] =	wrdreg s2  }
0xb1: {  	[dreg:$0x4] =	wrdreg s18  }
0xb2: {  	[dreg:$0x5] =	wrdreg $0x9  }
0xb3: {  	_ =	task.clear_ibuf [dreg:s8], $0x6FFFF;
	_ =	strace $0x90000046  }
0xb4: {  	s29 =	simm.s32 $0x9;
	_ =	strace $0x80000048  }
0xb5: {  	_ =	swait.ge [sflag:s29], $0x1  }
0xb6: {  	[sflag:s29] =	ssyncadd.s32 $0xFFFFFFFF  }
0xb7: {  	_ =	strace $0x90000048  }
0xb8: {  	_ =	sfence  }
0xb9: {  	s30 =	sld [smem:$0x0];
	_ =	sdelay $0x2  }
0xba: {  	s31 =	sshll.u32 s1, $0xD;
	s1 =	sshrl.u32 s1, $0x2  }
0xbb: {  	s3 =	sand.u32 $0x4000, s31;
	s1 =	sadd.s32 s1, s30  }
0xbc: {  	s0 =	sor.u32 s3, s0;
	s1 =	sshll.u32 s1, $0x11  }
0xbd: {  	s0 =	sor.u32 s1, s0  }
0xbe: {  	s0 =	sadd.s32 $0x8F2B, s0  }
0xbf: {  	[sflag:s0] =	ssyncadd.remote.s32 $0x1  }
0xc0: {  	_ =	sfence.sel $0xFFFF  }
0xc1: {  	[dreg:$0x0] =	wrdreg $0xFFFFFFFF;
	(pc) =	sbr.abs _section_cstart, $3  }
0xc2: {  	[dreg:$0x1] =	wrdreg $0xFFFFFFFF  }
0xc3: {  	_ =	task.clear_ibuf [dreg:s8], $0x2FFFF;
	_ =	strace $0x9FFFFFFF  }
0xc4: {  	(tm) =	ssettm $0x7FFFFFFF  }
0xc5: {  	_ =	shalt  }
tec
execute0_lowered:
.L_overlay_start_1:
0x0: {  	(tag) =	ssettag $0x1  }
0x1: {  	s3 =	rddreg [dreg:$0x0]  }
0x2: {  	s1 =	srdreg.scid;
	s7 =	rddreg [dreg:$0x1]  }
0x3: {  	s0 =	stileid.u32;
	s11 =	rddreg [dreg:$0x2];
	s2 =	simm.s32 $0x0  }
0x4: {  	s14 =	simm.s32 $0x100;
	s15 =	simm.s32 $0x9C40;
	s16 =	simm.s32 $0xC3C0  }
0x5: {  	s17 =	simm.s32 $0x1;
	s18 =	simm.s32 $0x2;
	s19 =	simm.s32 $0xEB40  }
0x6: {  	s20 =	simm.s32 $0x10540;
	s4 =	sand.u32 $0x1, s1;
	s30 =	sshll.u32 s0, $0x1  }
0x7: {  	s21 =	simm.s32 $0x3;
	s22 =	simm.s32 $0x11F40;
	s5 =	sor.u32 s4, s30  }
0x8: {  	s23 =	simm.s32 $0x0;
	[smem:$0x7FF] =	sst s2;
	s6 =	smul.u32 $0x4E, s5  }
0x9: {  	s3 =	sadd.s32 $0xA00, s3;
	s4 =	ssub.s32 $0x2, s4;
	s5 =	smin.u32 s5, $0x4  }
0xa: {  	p0 =	sgt.u32 s0, $0x1;
	s31 =	sshrl.u32 s4, $0x1;
	s5 =	sadd.s32 s5, s6  }
.Ltmp0:
0xb: {  	s12 =	ssub.s32 s4, s31;
	s8 =	sshll.u32 s5, $0x5;
	(pc) =	sbr.rel .LBB2_1-.Ltmp0, $4  }
0xc: {  	_ =	strace $0x80000047;
	s12 =	smax.u32 s12, $0x1;
	s4 =	sadd.s32 s7, s8  }
0xd: {  	v0 =	vlaneseq.u32;
	s13 =	sadd.s32 $0x9C0, s8;
	s6 =	sadd.s32 s11, s8;
	s5 =	sadd.s32 $0x10, s4  }
0xe: {  	v2 =	vshrl.u32 v0, $0x3;
	v1 =	vand.u32 $0x7, v0;
	s7 =	sadd.s32 s7, s13;
	s8 =	sadd.s32 $0x9D0, s4;
	s9 =	sadd.s32 $0x340, s6  }
0xf: {  	v4 =	vor.u32 $0x80, v0;
	v2 =	vmul.u32 $0x8, v2;
	v3 =	vor.u32 $0x80, v1;
	s10 =	sadd.s32 $0x680, s6;
	s11 =	sadd.s32 s11, s13;
	s13 =	simm.s32 $0x80  }
.LBB2_10:
0x10: {  	s23 =	sadd.s32 $0x1, s23  }
0x11: {  	_ =	swait.ge [sflag:s21], $0x1A00;
	p1 =	sne.s32 s23, s12  }
.Ltmp1:
0x12: {  	[sflag:s21] =	ssyncset.done $0x0;
	(pc) =	sbr.rel @!p1 .LBB2_11-.Ltmp1, $4  }
0x13: {  	[sflag:s21] =	ssyncadd.s32 $0xFFFFE600  }
0x14: {  	_ =	swait.ge [sflag:s21], $0x1A00  }
0x15: {  	[sflag:s21] =	ssyncset.done $0x0  }
0x16: {  	[sflag:s21] =	ssyncadd.s32 $0xFFFFE600  }
.LBB2_1:
0x17: {  	[tilespmem:s2], [sflag:$0x2] =	stream.linear.gather [hbm4b:s3+s2], $0x9C40, $0x38;
	[tilespmem:$0x12040] =	vst v63  }
0x18: {  	_ = 	snop  }
0x19: {  	[tilespmem:s15], [sflag:$0x1] =	stream.strided.gather [hbm4b:s4+s13], $0x2700, s14, s13, $0x38;
	[tilespmem:$0x12040] =	vst v63  }
0x1a: {  	_ = 	snop  }
0x1b: {  	[tilespmem:s16], [sflag:$0x1] =	stream.strided.gather [hbm4b:s5+s13], $0x2700, s14, s13, $0x38;
	[tilespmem:$0x12040] =	vst v63  }
0x1c: {  	s24 =	simm.s32 @!p0 $0x0;
	s25 =	simm.s32 @!p0 $0xC340  }
0x1d: {  	[tilespmem:s25], [sflag:$0x1] =	stream.linear.gather @!p0 [hbm4b:s7+s24], $0x80, $0x38;
	[tilespmem:$0x12040] =	vst v63  }
0x1e: {  	s25 =	simm.s32 @!p0 $0x1  }
0x1f: {  	_ =	swait.ge @!p0 [sflag:s25], $0x80  }
0x20: {  	[sflag:s25] =	ssyncset.done @!p0 $0x0  }
0x21: {  	s26 =	simm.s32 @!p0 $0xEAC0;
	[sflag:s25] =	ssyncadd.s32 @!p0 $0xFFFFFF80  }
0x22: {  	[tilespmem:s26], [sflag:$0x1] =	stream.linear.gather @!p0 [hbm4b:s8+s24], $0x80, $0x38;
	[tilespmem:$0x12040] =	vst v63  }
0x23: {  	_ =	swait.ge @!p0 [sflag:s25], $0x80  }
0x24: {  	[sflag:s25] =	ssyncset.done @!p0 $0x0  }
0x25: {  	[sflag:s25] =	ssyncadd.s32 @!p0 $0xFFFFFF80  }
0x26: {  	_ =	swait.ge [sflag:s17], $0x2700  }
0x27: {  	[sflag:s17] =	ssyncset.done $0x0  }
0x28: {  	[sflag:s17] =	ssyncadd.s32 $0xFFFFD900  }
0x29: {  	_ =	swait.ge [sflag:s17], $0x2700  }
0x2a: {  	[sflag:s17] =	ssyncset.done $0x0  }
0x2b: {  	[sflag:s17] =	ssyncadd.s32 $0xFFFFD900  }
0x2c: {  	s24 =	sand.u32 $0x40, s2;
	_ =	swait.ge [sflag:s18], $0x9C40  }
0x2d: {  	s31 =	simm.s32 $0x0;
	s26 =	sor.u32 $0x30, s24;
	[sflag:s18] =	ssyncset.done $0x0  }
0x2e: {  	s28 =	sor.u32 s31, s26;
	[sflag:s18] =	ssyncadd.s32 $0xFFFF63C0  }
0x2f: {  	v8 =	vld [tilespmem:s28+$0xC3C0]  }
0x30: {  	v9 =	vld [tilespmem:s28+$0x9C40]  }
0x31: {  	s0 =	sor.u32 s24, s31  }
0x32: {  	s29 =	sor.u32 $0x10, s24;
	v10 =	vld [tilespmem:s0+$0xC3C0]  }
0x33: {  	s30 =	sor.u32 s31, s29;
	v6 =	vld [tilespmem:s0+$0x9C40]  }
0x34: {  	s1 =	sor.u32 $0x20, s24;
	v7 =	vld [tilespmem:s30+$0x9C40];
	v11 =	vadd.s32 $0x4E20, v8  }
0x35: {  	s25 =	sor.u32 s31, s1;
	v12 =	vld [tilespmem:s30+$0xC3C0];
	v13 =	vadd.s32 $0x2710, v9  }
0x36: {  	v5 =	vld [tilespmem:s25+$0x9C40];
	v8 =	vadd.s32 $0x7530, v8  }
0x37: {  	v14 =	vld [tilespmem:s25+$0xC3C0];
	v15 =	vadd.s32 $0x4E20, v10  }
0x38: {  	v16 =	vadd.s32 $0x2710, v6;
	v9 =	vld.idx.msk [tilespmem:v9+s2+$0x0], $0xffff  }
0x39: {  	v18 =	vadd.s32 $0x7530, v10;
	v11 =	vld.idx.msk [tilespmem:v11+s2+$0x0], $0xffff  }
0x3a: {  	v20 =	vadd.s32 $0x4E20, v12;
	v24 =	vld.idx.msk [tilespmem:v13+s2+$0x0], $0xffff  }
0x3b: {  	s31 =	simm.s32 $0x0;
	v22 =	vadd.s32 $0x2710, v7;
	v25 =	vld.idx.msk [tilespmem:v8+s2+$0x0], $0xffff  }
0x3c: {  	v23 =	vor.u32 s26, v2;
	v8 =	vadd.s32 $0x7530, v12;
	v10 =	vld.idx.msk [tilespmem:v15+s2+$0x0], $0xffff;
	v12 =	vor.u32 s31, v1  }
0x3d: {  	v30 =	vor.u32 s31, v3;
	v26 =	vadd.s32 $0x4E20, v14;
	v17 =	vld.idx.msk [tilespmem:v16+s2+$0x0], $0xffff;
	v27 =	vor.u32 v23, v12  }
0x3e: {  	v28 =	vor.u32 s29, v2;
	v19 =	vadd.s32 $0x2710, v5;
	v21 =	vld.idx.msk [tilespmem:v18+s2+$0x0], $0xffff;
	v23 =	vor.u32 v23, v30  }
0x3f: {  	v29 =	vor.u32 s1, v2;
	v13 =	vor.u32 s24, v2;
	v18 =	vadd.s32 $0x7530, v14;
	v16 =	vld.idx.msk [tilespmem:v20+s2+$0x0], $0xffff  }
0x40: {  	v20 =	vld.idx.msk [tilespmem:v22+s2+$0x0], $0xffff;
	v15 =	vor.u32 v13, v12;
	v13 =	vor.u32 v13, v30;
	v31 =	vadd.f32 v11, v9  }
0x41: {  	v14 =	vor.u32 v28, v12;
	v11 =	vor.u32 v28, v30;
	v22 =	vld.idx.msk [tilespmem:v8+s2+$0x0], $0xffff;
	v24 =	vadd.f32 v25, v24  }
0x42: {  	s25 =	simm.s32 $0x0;
	s24 =	simm.s32 $0x0;
	v9 =	vor.u32 v29, v12;
	v8 =	vor.u32 v29, v30;
	v12 =	vld.idx.msk [tilespmem:v26+s2+$0x0], $0xffff;
	[tilespmem:v27+s19+$0x0] =	vst.idx.msk $0xffff, v31  }
.LBB2_2:
0x43: {  	s24 =	sadd.s32 $0x4, s24;
	v19 =	vld.idx.msk [tilespmem:v19+s2+$0x0], $0xffff;
	[tilespmem:v23+s19+$0x0] =	vst.idx.msk $0xffff, v24;
	s25 =	sadd.s32 $0x40, s25  }
0x44: {  	v17 =	vadd.f32 v21, v17;
	s26 =	sshrl.u32 s24, $0x3;
	s29 =	sand.u32 $0x40, s25;
	v18 =	vld.idx.msk [tilespmem:v18+s2+$0x0], $0xffff  }
0x45: {  	s30 =	sshll.u32 s26, $0x7;
	v23 =	vor.u32 s29, v2;
	s31 =	sor.u32 $0x10, s29;
	s28 =	sor.u32 $0x30, s29;
	v21 =	vld.idx.msk [tilespmem:v6+s2+$0x0], $0xffff  }
0x46: {  	s1 =	sor.u32 s29, s30;
	v24 =	vor.u32 s31, v2;
	s29 =	sor.u32 $0x20, s29;
	s0 =	sor.u32 s30, s28;
	v25 =	vld.idx.msk [tilespmem:v7+s2+$0x0], $0xffff  }
0x47: {  	p1 =	slt.u32 s24, $0xCC;
	s31 =	sor.u32 s30, s31;
	v20 =	vadd.f32 v22, v20;
	s30 =	sor.u32 s30, s29;
	v26 =	vor.u32 s29, v2;
	v27 =	vld [tilespmem:s0+$0xC3C0]  }
0x48: {  	v22 =	vld [tilespmem:s0+$0x9C40]  }
0x49: {  	v6 =	vld [tilespmem:s1+$0x9C40]  }
0x4a: {  	v29 =	vadd.f32 v18, v19;
	v28 =	vld [tilespmem:s1+$0xC3C0]  }
0x4b: {  	v10 =	vadd.f32 v10, v21;
	v7 =	vld [tilespmem:s31+$0x9C40]  }
0x4c: {  	v16 =	vadd.f32 v16, v25;
	v18 =	vld [tilespmem:s31+$0xC3C0];
	v19 =	vadd.s32 $0x4E20, v27  }
0x4d: {  	v21 =	vld [tilespmem:s30+$0x9C40];
	v25 =	vadd.s32 $0x2710, v22;
	[tilespmem:v15+s19+$0x0] =	vst.idx.msk $0xffff, v10  }
0x4e: {  	v27 =	vadd.s32 $0x7530, v27;
	v15 =	vadd.s32 $0x2710, v6;
	v10 =	vld [tilespmem:s30+$0xC3C0];
	[tilespmem:v13+s19+$0x0] =	vst.idx.msk $0xffff, v17  }
0x4f: {  	v13 =	vadd.s32 $0x4E20, v28;
	v28 =	vadd.s32 $0x7530, v28;
	[tilespmem:v14+s19+$0x0] =	vst.idx.msk $0xffff, v16;
	v14 =	vld.idx.msk [tilespmem:v5+s2+$0x0], $0xffff  }
0x50: {  	v30 =	vadd.s32 $0x2710, v7;
	v22 =	vld.idx.msk [tilespmem:v22+s2+$0x0], $0xffff;
	[tilespmem:v11+s19+$0x0] =	vst.idx.msk $0xffff, v20  }
0x51: {  	v11 =	vadd.s32 $0x4E20, v18;
	v31 =	vadd.s32 $0x7530, v18;
	v32 =	vld.idx.msk [tilespmem:v19+s2+$0x0], $0xffff  }
0x52: {  	v19 =	vadd.s32 $0x2710, v21;
	v25 =	vld.idx.msk [tilespmem:v25+s2+$0x0], $0xffff;
	v5 =	vmov v21  }
0x53: {  	s0 =	sshll.u32 s26, $0x8;
	v33 =	vadd.s32 $0x4E20, v10;
	v18 =	vadd.s32 $0x7530, v10;
	v27 =	vld.idx.msk [tilespmem:v27+s2+$0x0], $0xffff  }
0x54: {  	v16 =	vor.u32 s28, v2;
	v20 =	vor.u32 s0, v1;
	v10 =	vld.idx.msk [tilespmem:v13+s2+$0x0], $0xffff  }
0x55: {  	v34 =	vor.u32 s0, v3;
	v35 =	vor.u32 v16, v20;
	v12 =	vadd.f32 v12, v14;
	v17 =	vld.idx.msk [tilespmem:v15+s2+$0x0], $0xffff  }
.Ltmp2:
0x56: {  	v13 =	vor.u32 v23, v34;
	v15 =	vor.u32 v23, v20;
	v23 =	vor.u32 v16, v34;
	v21 =	vld.idx.msk [tilespmem:v28+s2+$0x0], $0xffff;
	(pc) =	sbr.rel @p1 .LBB2_2-.Ltmp2, $4  }
0x57: {  	v14 =	vor.u32 v24, v20;
	v28 =	vor.u32 v26, v20;
	v16 =	vld.idx.msk [tilespmem:v11+s2+$0x0], $0xffff;
	v11 =	vor.u32 v24, v34  }
0x58: {  	v26 =	vor.u32 v26, v34;
	v20 =	vld.idx.msk [tilespmem:v30+s2+$0x0], $0xffff;
	v30 =	vadd.f32 v32, v22;
	[tilespmem:v9+s19+$0x0] =	vst.idx.msk $0xffff, v12  }
0x59: {  	v24 =	vadd.f32 v27, v25;
	v9 =	vmov v28;
	v22 =	vld.idx.msk [tilespmem:v31+s2+$0x0], $0xffff;
	[tilespmem:v8+s19+$0x0] =	vst.idx.msk $0xffff, v29;
	v8 =	vmov v26  }
0x5a: {  	v12 =	vld.idx.msk [tilespmem:v33+s2+$0x0], $0xffff;
	[tilespmem:v35+s19+$0x0] =	vst.idx.msk $0xffff, v30  }
0x5b: {  	_ =	sdelay $0x3  }
0x5c: {  	v6 =	vld.idx.msk [tilespmem:v6+s2+$0x0], $0xffff  }
0x5d: {  	v7 =	vld.idx.msk [tilespmem:v7+s2+$0x0], $0xffff  }
0x5e: {  	v5 =	vld.idx.msk [tilespmem:v5+s2+$0x0], $0xffff;
	_ =	sdelay $0x1  }
0x5f: {  	v19 =	vld.idx.msk [tilespmem:v19+s2+$0x0], $0xffff  }
0x60: {  	v18 =	vld.idx.msk [tilespmem:v18+s2+$0x0], $0xffff;
	v6 =	vadd.f32 v10, v6  }
0x61: {  	[tilespmem:v23+s19+$0x0] =	vst.idx.msk $0xffff, v24;
	v7 =	vadd.f32 v16, v7  }
0x62: {  	v5 =	vadd.f32 v12, v5;
	[tilespmem:v15+s19+$0x0] =	vst.idx.msk $0xffff, v6  }
0x63: {  	v10 =	vadd.f32 v21, v17;
	[tilespmem:v14+s19+$0x0] =	vst.idx.msk $0xffff, v7  }
0x64: {  	s24 =	simm.s32 $0x0;
	v6 =	vadd.f32 v22, v20;
	[tilespmem:v9+s19+$0x0] =	vst.idx.msk $0xffff, v5  }
0x65: {  	s0 =	sand.u32 $0x40, s24;
	v7 =	vadd.f32 v18, v19;
	[tilespmem:v13+s19+$0x0] =	vst.idx.msk $0xffff, v10  }
0x66: {  	s1 =	simm.s32 $0xD00;
	s25 =	sor.u32 $0x30, s0;
	[tilespmem:v11+s19+$0x0] =	vst.idx.msk $0xffff, v6  }
0x67: {  	s26 =	sor.u32 s25, s1;
	[tilespmem:v8+s19+$0x0] =	vst.idx.msk $0xffff, v7  }
0x68: {  	[hbm4b:s6+s24] =	stream.linear.scatter [tilespmem:s19], [sflag:$0x3], $0x1A00, $0x38;
	[tilespmem:$0x12040] =	vst v63  }
0x69: {  	v8 =	vld [tilespmem:s26+$0xC3C0]  }
0x6a: {  	v9 =	vld [tilespmem:s26+$0x9C40]  }
0x6b: {  	s31 =	sor.u32 s0, s1  }
0x6c: {  	s28 =	sor.u32 $0x10, s0;
	v10 =	vld [tilespmem:s31+$0xC3C0]  }
0x6d: {  	s29 =	sor.u32 s28, s1;
	v7 =	vld [tilespmem:s31+$0x9C40]  }
0x6e: {  	s30 =	sor.u32 $0x20, s0;
	v6 =	vld [tilespmem:s29+$0x9C40];
	v11 =	vadd.s32 $0x4E20, v8  }
0x6f: {  	s1 =	sor.u32 s30, s1;
	v12 =	vld [tilespmem:s29+$0xC3C0];
	v13 =	vadd.s32 $0x2710, v9  }
0x70: {  	v5 =	vld [tilespmem:s1+$0x9C40];
	v8 =	vadd.s32 $0x7530, v8  }
0x71: {  	v14 =	vld [tilespmem:s1+$0xC3C0];
	v15 =	vadd.s32 $0x4E20, v10  }
0x72: {  	v17 =	vadd.s32 $0x2710, v7;
	v22 =	vld.idx.msk [tilespmem:v9+s2+$0x0], $0xffff  }
0x73: {  	v9 =	vadd.s32 $0x7530, v10;
	v25 =	vld.idx.msk [tilespmem:v11+s2+$0x0], $0xffff  }
0x74: {  	s31 =	simm.s32 $0x0;
	v10 =	vadd.s32 $0x4E20, v12;
	v27 =	vld.idx.msk [tilespmem:v13+s2+$0x0], $0xffff  }
0x75: {  	v19 =	vor.u32 s28, v2;
	v30 =	vor.u32 s31, v1;
	v26 =	vadd.s32 $0x2710, v6;
	v28 =	vld.idx.msk [tilespmem:v8+s2+$0x0], $0xffff  }
0x76: {  	v31 =	vor.u32 s31, v3;
	v29 =	vadd.s32 $0x7530, v12;
	v11 =	vld.idx.msk [tilespmem:v15+s2+$0x0], $0xffff;
	v15 =	vor.u32 s25, v2  }
0x77: {  	v16 =	vadd.s32 $0x2710, v5;
	v20 =	vadd.s32 $0x4E20, v14;
	v18 =	vld.idx.msk [tilespmem:v17+s2+$0x0], $0xffff;
	v23 =	vor.u32 v15, v30  }
0x78: {  	v13 =	vor.u32 s0, v2;
	v8 =	vor.u32 s30, v2;
	v24 =	vor.u32 v15, v31;
	v21 =	vld.idx.msk [tilespmem:v9+s2+$0x0], $0xffff  }
0x79: {  	v17 =	vadd.s32 $0x7530, v14;
	v14 =	vor.u32 v13, v30;
	v12 =	vor.u32 v13, v31;
	v15 =	vld.idx.msk [tilespmem:v10+s2+$0x0], $0xffff  }
0x7a: {  	v13 =	vor.u32 v19, v30;
	v10 =	vor.u32 v19, v31;
	v19 =	vld.idx.msk [tilespmem:v26+s2+$0x0], $0xffff;
	v26 =	vadd.f32 v25, v22  }
0x7b: {  	s25 =	simm.s32 $0x0;
	v9 =	vor.u32 v8, v30;
	v8 =	vor.u32 v8, v31;
	v22 =	vld.idx.msk [tilespmem:v29+s2+$0x0], $0xffff;
	v25 =	vadd.f32 v28, v27  }
.LBB2_4:
0x7c: {  	s25 =	sadd.s32 $0x4, s25;
	v27 =	vld.idx.msk [tilespmem:v20+s2+$0x0], $0xffff;
	[tilespmem:v23+s20+$0x0] =	vst.idx.msk $0xffff, v26  }
0x7d: {  	s24 =	sadd.s32 $0x40, s24;
	s26 =	sshrl.u32 s25, $0x3;
	v16 =	vld.idx.msk [tilespmem:v16+s2+$0x0], $0xffff;
	[tilespmem:v24+s20+$0x0] =	vst.idx.msk $0xffff, v25  }
0x7e: {  	s0 =	sand.u32 $0x40, s24;
	p1 =	slt.u32 s25, $0xCC;
	v18 =	vadd.f32 v21, v18;
	s1 =	sshll.u32 s26, $0x7;
	v17 =	vld.idx.msk [tilespmem:v17+s2+$0x0], $0xffff  }
0x7f: {  	v24 =	vor.u32 s0, v2;
	s28 =	sor.u32 $0x10, s0;
	s29 =	sor.u32 $0x30, s0;
	s1 =	sadd.s32 $0xD00, s1;
	v20 =	vld.idx.msk [tilespmem:v7+s2+$0x0], $0xffff  }
0x80: {  	v25 =	vor.u32 s28, v2;
	s30 =	sor.u32 s0, s1;
	s0 =	sor.u32 $0x20, s0;
	s31 =	sor.u32 s29, s1;
	v21 =	vld.idx.msk [tilespmem:v6+s2+$0x0], $0xffff  }
0x81: {  	s28 =	sor.u32 s28, s1;
	v19 =	vadd.f32 v22, v19;
	s1 =	sor.u32 s0, s1;
	v26 =	vor.u32 s0, v2;
	v23 =	vld [tilespmem:s31+$0xC3C0]  }
0x82: {  	v22 =	vld [tilespmem:s31+$0x9C40]  }
0x83: {  	v7 =	vld [tilespmem:s30+$0x9C40]  }
0x84: {  	v29 =	vadd.f32 v17, v16;
	v28 =	vld [tilespmem:s30+$0xC3C0]  }
0x85: {  	v11 =	vadd.f32 v11, v20;
	v6 =	vld [tilespmem:s28+$0x9C40]  }
0x86: {  	v15 =	vadd.f32 v15, v21;
	v16 =	vld [tilespmem:s28+$0xC3C0];
	v17 =	vadd.s32 $0x4E20, v23  }
0x87: {  	v20 =	vld [tilespmem:s1+$0x9C40];
	v21 =	vadd.s32 $0x2710, v22;
	[tilespmem:v14+s20+$0x0] =	vst.idx.msk $0xffff, v11  }
0x88: {  	v23 =	vadd.s32 $0x7530, v23;
	v14 =	vadd.s32 $0x2710, v7;
	v11 =	vld [tilespmem:s1+$0xC3C0];
	[tilespmem:v12+s20+$0x0] =	vst.idx.msk $0xffff, v18  }
0x89: {  	v12 =	vadd.s32 $0x4E20, v28;
	v28 =	vadd.s32 $0x7530, v28;
	[tilespmem:v13+s20+$0x0] =	vst.idx.msk $0xffff, v15;
	v13 =	vld.idx.msk [tilespmem:v5+s2+$0x0], $0xffff  }
0x8a: {  	v30 =	vadd.s32 $0x2710, v6;
	v22 =	vld.idx.msk [tilespmem:v22+s2+$0x0], $0xffff;
	[tilespmem:v10+s20+$0x0] =	vst.idx.msk $0xffff, v19  }
0x8b: {  	v10 =	vadd.s32 $0x4E20, v16;
	v31 =	vadd.s32 $0x7530, v16;
	v32 =	vld.idx.msk [tilespmem:v17+s2+$0x0], $0xffff  }
0x8c: {  	v16 =	vadd.s32 $0x2710, v20;
	v33 =	vld.idx.msk [tilespmem:v21+s2+$0x0], $0xffff;
	v5 =	vmov v20  }
0x8d: {  	s0 =	sshll.u32 s26, $0x8;
	v20 =	vadd.s32 $0x4E20, v11;
	v17 =	vadd.s32 $0x7530, v11;
	v34 =	vld.idx.msk [tilespmem:v23+s2+$0x0], $0xffff  }
0x8e: {  	v15 =	vor.u32 s29, v2;
	v19 =	vor.u32 s0, v1;
	v11 =	vld.idx.msk [tilespmem:v12+s2+$0x0], $0xffff  }
.Ltmp3:
0x8f: {  	v35 =	vor.u32 s0, v3;
	v23 =	vor.u32 v15, v19;
	v27 =	vadd.f32 v27, v13;
	v18 =	vld.idx.msk [tilespmem:v14+s2+$0x0], $0xffff;
	(pc) =	sbr.rel @p1 .LBB2_4-.Ltmp3, $4  }
0x90: {  	v12 =	vor.u32 v24, v35;
	v14 =	vor.u32 v24, v19;
	v24 =	vor.u32 v15, v35;
	v21 =	vld.idx.msk [tilespmem:v28+s2+$0x0], $0xffff  }
0x91: {  	v13 =	vor.u32 v25, v19;
	v28 =	vor.u32 v26, v19;
	v15 =	vld.idx.msk [tilespmem:v10+s2+$0x0], $0xffff;
	v10 =	vor.u32 v25, v35  }
0x92: {  	v19 =	vld.idx.msk [tilespmem:v30+s2+$0x0], $0xffff;
	v30 =	vor.u32 v26, v35;
	v26 =	vadd.f32 v32, v22;
	[tilespmem:v9+s20+$0x0] =	vst.idx.msk $0xffff, v27  }
0x93: {  	v25 =	vadd.f32 v34, v33;
	v9 =	vmov v28;
	v22 =	vld.idx.msk [tilespmem:v31+s2+$0x0], $0xffff;
	[tilespmem:v8+s20+$0x0] =	vst.idx.msk $0xffff, v29;
	v8 =	vmov v30  }
0x94: {  	_ =	sdelay $0x3  }
0x95: {  	v7 =	vld.idx.msk [tilespmem:v7+s2+$0x0], $0xffff  }
0x96: {  	v20 =	vld.idx.msk [tilespmem:v20+s2+$0x0], $0xffff  }
0x97: {  	v6 =	vld.idx.msk [tilespmem:v6+s2+$0x0], $0xffff  }
0x98: {  	v5 =	vld.idx.msk [tilespmem:v5+s2+$0x0], $0xffff;
	_ =	sdelay $0x1  }
0x99: {  	v16 =	vld.idx.msk [tilespmem:v16+s2+$0x0], $0xffff  }
0x9a: {  	[tilespmem:v23+s20+$0x0] =	vst.idx.msk $0xffff, v26;
	v17 =	vld.idx.msk [tilespmem:v17+s2+$0x0], $0xffff;
	v7 =	vadd.f32 v11, v7  }
0x9b: {  	[tilespmem:v24+s20+$0x0] =	vst.idx.msk $0xffff, v25;
	v6 =	vadd.f32 v15, v6  }
0x9c: {  	v5 =	vadd.f32 v20, v5;
	[tilespmem:v14+s20+$0x0] =	vst.idx.msk $0xffff, v7  }
0x9d: {  	v11 =	vadd.f32 v21, v18;
	[tilespmem:v13+s20+$0x0] =	vst.idx.msk $0xffff, v6  }
0x9e: {  	v7 =	vadd.f32 v22, v19;
	[tilespmem:v9+s20+$0x0] =	vst.idx.msk $0xffff, v5  }
0x9f: {  	v6 =	vadd.f32 v17, v16;
	[tilespmem:v12+s20+$0x0] =	vst.idx.msk $0xffff, v11  }
0xa0: {  	[tilespmem:v10+s20+$0x0] =	vst.idx.msk $0xffff, v7  }
0xa1: {  	s24 =	simm.s32 $0x0;
	[tilespmem:v8+s20+$0x0] =	vst.idx.msk $0xffff, v6  }
0xa2: {  	[hbm4b:s9+s24] =	stream.linear.scatter [tilespmem:s20], [sflag:$0x3], $0x1A00, $0x38;
	[tilespmem:$0x12040] =	vst v63  }
0xa3: {  	s0 =	sand.u32 $0x40, s24;
	_ =	swait.ge [sflag:s21], $0x1A00  }
0xa4: {  	s1 =	simm.s32 $0x1A00;
	s25 =	sor.u32 $0x30, s0;
	[sflag:s21] =	ssyncset.done $0x0  }
0xa5: {  	s26 =	sor.u32 s25, s1;
	[sflag:s21] =	ssyncadd.s32 $0xFFFFE600  }
0xa6: {  	v8 =	vld [tilespmem:s26+$0xC3C0]  }
0xa7: {  	v9 =	vld [tilespmem:s26+$0x9C40]  }
0xa8: {  	s31 =	sor.u32 s0, s1  }
0xa9: {  	s28 =	sor.u32 $0x10, s0;
	v10 =	vld [tilespmem:s31+$0xC3C0]  }
0xaa: {  	s29 =	sor.u32 s28, s1;
	v7 =	vld [tilespmem:s31+$0x9C40]  }
0xab: {  	s30 =	sor.u32 $0x20, s0;
	v6 =	vld [tilespmem:s29+$0x9C40];
	v11 =	vadd.s32 $0x4E20, v8  }
0xac: {  	s1 =	sor.u32 s30, s1;
	v12 =	vld [tilespmem:s29+$0xC3C0];
	v13 =	vadd.s32 $0x2710, v9  }
0xad: {  	v5 =	vld [tilespmem:s1+$0x9C40];
	v8 =	vadd.s32 $0x7530, v8  }
0xae: {  	v14 =	vld [tilespmem:s1+$0xC3C0];
	v15 =	vadd.s32 $0x4E20, v10  }
0xaf: {  	v17 =	vadd.s32 $0x2710, v7;
	v22 =	vld.idx.msk [tilespmem:v9+s2+$0x0], $0xffff  }
0xb0: {  	v9 =	vadd.s32 $0x7530, v10;
	v25 =	vld.idx.msk [tilespmem:v11+s2+$0x0], $0xffff  }
0xb1: {  	s31 =	simm.s32 $0x0;
	v10 =	vadd.s32 $0x4E20, v12;
	v27 =	vld.idx.msk [tilespmem:v13+s2+$0x0], $0xffff  }
0xb2: {  	v19 =	vor.u32 s28, v2;
	v30 =	vor.u32 s31, v1;
	v26 =	vadd.s32 $0x2710, v6;
	v28 =	vld.idx.msk [tilespmem:v8+s2+$0x0], $0xffff  }
0xb3: {  	v31 =	vor.u32 s31, v3;
	v29 =	vadd.s32 $0x7530, v12;
	v11 =	vld.idx.msk [tilespmem:v15+s2+$0x0], $0xffff;
	v15 =	vor.u32 s25, v2  }
0xb4: {  	v16 =	vadd.s32 $0x2710, v5;
	v20 =	vadd.s32 $0x4E20, v14;
	v18 =	vld.idx.msk [tilespmem:v17+s2+$0x0], $0xffff;
	v23 =	vor.u32 v15, v30  }
0xb5: {  	v13 =	vor.u32 s0, v2;
	v8 =	vor.u32 s30, v2;
	v24 =	vor.u32 v15, v31;
	v21 =	vld.idx.msk [tilespmem:v9+s2+$0x0], $0xffff  }
0xb6: {  	v17 =	vadd.s32 $0x7530, v14;
	v14 =	vor.u32 v13, v30;
	v12 =	vor.u32 v13, v31;
	v15 =	vld.idx.msk [tilespmem:v10+s2+$0x0], $0xffff  }
0xb7: {  	v13 =	vor.u32 v19, v30;
	v10 =	vor.u32 v19, v31;
	v19 =	vld.idx.msk [tilespmem:v26+s2+$0x0], $0xffff;
	v26 =	vadd.f32 v25, v22  }
0xb8: {  	s25 =	simm.s32 $0x0;
	v9 =	vor.u32 v8, v30;
	v8 =	vor.u32 v8, v31;
	v22 =	vld.idx.msk [tilespmem:v29+s2+$0x0], $0xffff;
	v25 =	vadd.f32 v28, v27  }
.LBB2_6:
0xb9: {  	s25 =	sadd.s32 $0x4, s25;
	v27 =	vld.idx.msk [tilespmem:v20+s2+$0x0], $0xffff;
	[tilespmem:v23+s19+$0x0] =	vst.idx.msk $0xffff, v26  }
0xba: {  	s24 =	sadd.s32 $0x40, s24;
	s26 =	sshrl.u32 s25, $0x3;
	v16 =	vld.idx.msk [tilespmem:v16+s2+$0x0], $0xffff;
	[tilespmem:v24+s19+$0x0] =	vst.idx.msk $0xffff, v25  }
0xbb: {  	s0 =	sand.u32 $0x40, s24;
	p1 =	slt.u32 s25, $0xCC;
	v18 =	vadd.f32 v21, v18;
	s1 =	sshll.u32 s26, $0x7;
	v17 =	vld.idx.msk [tilespmem:v17+s2+$0x0], $0xffff  }
0xbc: {  	v24 =	vor.u32 s0, v2;
	s28 =	sor.u32 $0x10, s0;
	s29 =	sor.u32 $0x30, s0;
	s1 =	sadd.s32 $0x1A00, s1;
	v20 =	vld.idx.msk [tilespmem:v7+s2+$0x0], $0xffff  }
0xbd: {  	v25 =	vor.u32 s28, v2;
	s30 =	sor.u32 s0, s1;
	s0 =	sor.u32 $0x20, s0;
	s31 =	sor.u32 s29, s1;
	v21 =	vld.idx.msk [tilespmem:v6+s2+$0x0], $0xffff  }
0xbe: {  	s28 =	sor.u32 s28, s1;
	v19 =	vadd.f32 v22, v19;
	s1 =	sor.u32 s0, s1;
	v26 =	vor.u32 s0, v2;
	v23 =	vld [tilespmem:s31+$0xC3C0]  }
0xbf: {  	v22 =	vld [tilespmem:s31+$0x9C40]  }
0xc0: {  	v7 =	vld [tilespmem:s30+$0x9C40]  }
0xc1: {  	v29 =	vadd.f32 v17, v16;
	v28 =	vld [tilespmem:s30+$0xC3C0]  }
0xc2: {  	v11 =	vadd.f32 v11, v20;
	v6 =	vld [tilespmem:s28+$0x9C40]  }
0xc3: {  	v15 =	vadd.f32 v15, v21;
	v16 =	vld [tilespmem:s28+$0xC3C0];
	v17 =	vadd.s32 $0x4E20, v23  }
0xc4: {  	v20 =	vld [tilespmem:s1+$0x9C40];
	v21 =	vadd.s32 $0x2710, v22;
	[tilespmem:v14+s19+$0x0] =	vst.idx.msk $0xffff, v11  }
0xc5: {  	v23 =	vadd.s32 $0x7530, v23;
	v14 =	vadd.s32 $0x2710, v7;
	v11 =	vld [tilespmem:s1+$0xC3C0];
	[tilespmem:v12+s19+$0x0] =	vst.idx.msk $0xffff, v18  }
0xc6: {  	v12 =	vadd.s32 $0x4E20, v28;
	v28 =	vadd.s32 $0x7530, v28;
	[tilespmem:v13+s19+$0x0] =	vst.idx.msk $0xffff, v15;
	v13 =	vld.idx.msk [tilespmem:v5+s2+$0x0], $0xffff  }
0xc7: {  	v30 =	vadd.s32 $0x2710, v6;
	v22 =	vld.idx.msk [tilespmem:v22+s2+$0x0], $0xffff;
	[tilespmem:v10+s19+$0x0] =	vst.idx.msk $0xffff, v19  }
0xc8: {  	v10 =	vadd.s32 $0x4E20, v16;
	v31 =	vadd.s32 $0x7530, v16;
	v32 =	vld.idx.msk [tilespmem:v17+s2+$0x0], $0xffff  }
0xc9: {  	v16 =	vadd.s32 $0x2710, v20;
	v33 =	vld.idx.msk [tilespmem:v21+s2+$0x0], $0xffff;
	v5 =	vmov v20  }
0xca: {  	s0 =	sshll.u32 s26, $0x8;
	v20 =	vadd.s32 $0x4E20, v11;
	v17 =	vadd.s32 $0x7530, v11;
	v34 =	vld.idx.msk [tilespmem:v23+s2+$0x0], $0xffff  }
0xcb: {  	v15 =	vor.u32 s29, v2;
	v19 =	vor.u32 s0, v1;
	v11 =	vld.idx.msk [tilespmem:v12+s2+$0x0], $0xffff  }
.Ltmp4:
0xcc: {  	v35 =	vor.u32 s0, v3;
	v23 =	vor.u32 v15, v19;
	v27 =	vadd.f32 v27, v13;
	v18 =	vld.idx.msk [tilespmem:v14+s2+$0x0], $0xffff;
	(pc) =	sbr.rel @p1 .LBB2_6-.Ltmp4, $4  }
0xcd: {  	v12 =	vor.u32 v24, v35;
	v14 =	vor.u32 v24, v19;
	v24 =	vor.u32 v15, v35;
	v21 =	vld.idx.msk [tilespmem:v28+s2+$0x0], $0xffff  }
0xce: {  	v13 =	vor.u32 v25, v19;
	v28 =	vor.u32 v26, v19;
	v15 =	vld.idx.msk [tilespmem:v10+s2+$0x0], $0xffff;
	v10 =	vor.u32 v25, v35  }
0xcf: {  	v19 =	vld.idx.msk [tilespmem:v30+s2+$0x0], $0xffff;
	v30 =	vor.u32 v26, v35;
	v26 =	vadd.f32 v32, v22;
	[tilespmem:v9+s19+$0x0] =	vst.idx.msk $0xffff, v27  }
0xd0: {  	v25 =	vadd.f32 v34, v33;
	v9 =	vmov v28;
	v22 =	vld.idx.msk [tilespmem:v31+s2+$0x0], $0xffff;
	[tilespmem:v8+s19+$0x0] =	vst.idx.msk $0xffff, v29;
	v8 =	vmov v30  }
0xd1: {  	_ =	sdelay $0x3  }
0xd2: {  	v7 =	vld.idx.msk [tilespmem:v7+s2+$0x0], $0xffff  }
0xd3: {  	v20 =	vld.idx.msk [tilespmem:v20+s2+$0x0], $0xffff  }
0xd4: {  	v6 =	vld.idx.msk [tilespmem:v6+s2+$0x0], $0xffff  }
0xd5: {  	v5 =	vld.idx.msk [tilespmem:v5+s2+$0x0], $0xffff;
	_ =	sdelay $0x1  }
0xd6: {  	v16 =	vld.idx.msk [tilespmem:v16+s2+$0x0], $0xffff  }
0xd7: {  	[tilespmem:v23+s19+$0x0] =	vst.idx.msk $0xffff, v26;
	v17 =	vld.idx.msk [tilespmem:v17+s2+$0x0], $0xffff;
	v7 =	vadd.f32 v11, v7  }
0xd8: {  	[tilespmem:v24+s19+$0x0] =	vst.idx.msk $0xffff, v25;
	v6 =	vadd.f32 v15, v6  }
0xd9: {  	v5 =	vadd.f32 v20, v5;
	[tilespmem:v14+s19+$0x0] =	vst.idx.msk $0xffff, v7  }
0xda: {  	v63 =	vadd.f32 v21, v18;
	[tilespmem:v13+s19+$0x0] =	vst.idx.msk $0xffff, v6  }
.Ltmp5:
0xdb: {  	v7 =	vadd.f32 v22, v19;
	[tilespmem:v9+s19+$0x0] =	vst.idx.msk $0xffff, v5;
	(pc) =	sbr.rel @p0 .LBB2_10-.Ltmp5, $4  }
0xdc: {  	v6 =	vadd.f32 v17, v16;
	[tilespmem:v12+s19+$0x0] =	vst.idx.msk $0xffff, v63  }
0xdd: {  	[tilespmem:v10+s19+$0x0] =	vst.idx.msk $0xffff, v7  }
0xde: {  	s24 =	simm.s32 $0x0;
	p1 =	por $0x1, $0x1;
	[tilespmem:v8+s19+$0x0] =	vst.idx.msk $0xffff, v6  }
0xdf: {  	[hbm4b:s10+s24] =	stream.linear.scatter [tilespmem:s19], [sflag:$0x3], $0x1A00, $0x38;
	[tilespmem:$0x12040] =	vst v63  }
.LBB2_8:
0xe0: {  	v5 =	vld [tilespmem:s24+$0xEAC0]  }
0xe1: {  	v6 =	vld [tilespmem:s24+$0xC340]  }
0xe2: {  	v9 =	vld [tilespmem:s24+$0xC350]  }
0xe3: {  	v13 =	vld [tilespmem:s24+$0xC360]  }
0xe4: {  	v17 =	vld [tilespmem:s24+$0xC370];
	_ =	sdelay $0x1  }
0xe5: {  	v10 =	vld [tilespmem:s24+$0xEAD0]  }
0xe6: {  	v11 =	vld [tilespmem:s24+$0xEAE0]  }
0xe7: {  	v15 =	vld [tilespmem:s24+$0xEAF0];
	v7 =	vadd.s32 $0x4E20, v5  }
0xe8: {  	v8 =	vadd.s32 $0x2710, v6;
	v6 =	vld.idx.msk [tilespmem:v6+s2+$0x0], $0xffff  }
0xe9: {  	v5 =	vadd.s32 $0x7530, v5;
	v14 =	vadd.s32 $0x2710, v9;
	v9 =	vld.idx.msk [tilespmem:v9+s2+$0x0], $0xffff  }
0xea: {  	v12 =	vadd.s32 $0x4E20, v10;
	v18 =	vadd.s32 $0x2710, v13;
	v13 =	vld.idx.msk [tilespmem:v13+s2+$0x0], $0xffff  }
0xeb: {  	v20 =	vadd.s32 $0x2710, v17;
	v17 =	vld.idx.msk [tilespmem:v17+s2+$0x0], $0xffff  }
0xec: {  	v10 =	vadd.s32 $0x7530, v10;
	v7 =	vld.idx.msk [tilespmem:v7+s2+$0x0], $0xffff  }
0xed: {  	v16 =	vadd.s32 $0x4E20, v11;
	v8 =	vld.idx.msk [tilespmem:v8+s2+$0x0], $0xffff  }
0xee: {  	v5 =	vld.idx.msk [tilespmem:v5+s2+$0x0], $0xffff  }
0xef: {  	v11 =	vadd.s32 $0x7530, v11;
	v12 =	vld.idx.msk [tilespmem:v12+s2+$0x0], $0xffff  }
0xf0: {  	v19 =	vadd.s32 $0x4E20, v15;
	v14 =	vld.idx.msk [tilespmem:v14+s2+$0x0], $0xffff  }
0xf1: {  	v10 =	vld.idx.msk [tilespmem:v10+s2+$0x0], $0xffff  }
0xf2: {  	v21 =	vor.u32 s24, v0;
	v15 =	vadd.s32 $0x7530, v15;
	v16 =	vld.idx.msk [tilespmem:v16+s2+$0x0], $0xffff  }
0xf3: {  	v22 =	vor.u32 s24, v4;
	s0 =	sor.u32 $0x10, s24;
	v18 =	vld.idx.msk [tilespmem:v18+s2+$0x0], $0xffff  }
0xf4: {  	v23 =	vor.u32 s0, v0;
	v11 =	vld.idx.msk [tilespmem:v11+s2+$0x0], $0xffff  }
0xf5: {  	s30 =	sor.u32 $0x20, s24;
	v19 =	vld.idx.msk [tilespmem:v19+s2+$0x0], $0xffff;
	v6 =	vadd.f32 v7, v6;
	v7 =	vor.u32 s0, v4  }
0xf6: {  	v59 =	vor.u32 s30, v0;
	v20 =	vld.idx.msk [tilespmem:v20+s2+$0x0], $0xffff;
	v5 =	vadd.f32 v5, v8  }
0xf7: {  	s31 =	sor.u32 $0x30, s24;
	v60 =	vor.u32 s30, v4;
	v61 =	vld.idx.msk [tilespmem:v15+s2+$0x0], $0xffff;
	[tilespmem:v21+s22+$0x0] =	vst.idx.msk $0xffff, v6;
	v6 =	vadd.f32 v12, v9  }
0xf8: {  	v62 =	vor.u32 s31, v0;
	[tilespmem:v22+s22+$0x0] =	vst.idx.msk $0xffff, v5;
	v5 =	vadd.f32 v10, v14  }
0xf9: {  	p2 =	por p1, p1;
	v63 =	vor.u32 s31, v4;
	[tilespmem:v23+s22+$0x0] =	vst.idx.msk $0xffff, v6;
	v6 =	vadd.f32 v16, v13  }
.Ltmp6:
0xfa: {  	[tilespmem:v7+s22+$0x0] =	vst.idx.msk $0xffff, v5;
	v5 =	vadd.f32 v11, v18;
	(pc) =	sbr.rel @p2 .LBB2_8-.Ltmp6, $4  }
0xfb: {  	[tilespmem:v59+s22+$0x0] =	vst.idx.msk $0xffff, v6;
	v6 =	vadd.f32 v19, v17  }
0xfc: {  	[tilespmem:v60+s22+$0x0] =	vst.idx.msk $0xffff, v5;
	v5 =	vadd.f32 v61, v20  }
0xfd: {  	[tilespmem:v62+s22+$0x0] =	vst.idx.msk $0xffff, v6  }
0xfe: {  	s24 =	simm.s32 $0x40;
	p1 =	por $0x0, $0x0;
	[tilespmem:v63+s22+$0x0] =	vst.idx.msk $0xffff, v5  }
.Ltmp7:
0xff: {  	(pc) =	sbr.rel .LBB2_10-.Ltmp7, $4  }
0x100: {  	[hbm4b:s11+s2] =	stream.linear.scatter [tilespmem:s22], [sflag:$0x3], $0x100, $0x38;
	[tilespmem:$0x12040] =	vst v63  }
0x101: {  	_ =	swait.ge [sflag:s21], $0x100  }
0x102: {  	[sflag:s21] =	ssyncset.done $0x0  }
0x103: {  	[sflag:s21] =	ssyncadd.s32 $0xFFFFFF00  }
.LBB2_11:
0x104: {  	_ =	sfence.sel $0x180000  }
0x105: {  	[bflag:$0x0] =	sbarrier.arrive $0xFFFF  }
0x106: {  	_ =	strace $0x90000047  }
0x107: {  	s0 =	stileid.u32;
	[bflag:$0x2] =	sbarrier.arrive $0xFFFF  }
0x108: {  	p0 =	sne.s32 s0, $0x0;
	s0 =	rddreg [dreg:$0x3]  }
0x109: {  	s0 =	sadd.s32 @!p0 $0x100000, s0  }
0x10a: {  	[sflag:s0] =	ssyncadd.tile.s32 @!p0 $0x1;
	_ =	shalt  }
.Lfunc_end2:
_tile_overlayer_lowered:
.L_overlay_start_2:
0x10b: {  	(tag) =	ssettag $0x2  }
0x10c: {  	s0 =	rddreg [dreg:$0x0];
	s2 =	stileid.u32  }
0x10d: {  	s1 =	rddreg [dreg:$0x1];
	p0 =	sne.s32 s2, $0x0  }
0x10e: {  	s3 =	rddreg [dreg:$0x2];
	[bflag:$0x3] =	sbarrier.arrive $0xFFFF;
	s2 =	simm.s32 @!p0 $0x1C04  }
0x10f: {  	[timem:s3], [sflag:s2] =	dma.local @!p0 [hbm:s0], s1  }
0x110: {  	s0 =	simm.s32 @!p0 $0x4  }
0x111: {  	_ =	swait.ge @!p0 [sflag:s0], s1  }
0x112: {  	s1 =	ssub.s32 @!p0 $0x0, s1;
	[sflag:s0] =	ssyncset.done @!p0 $0x0  }
0x113: {  	[sflag:s0] =	ssyncadd.s32 @!p0 s1  }
0x114: {  	[bflag:$0x3] =	sbarrier.arrive $0xFFFF  }
0x115: {  	_ =	shalt  }

</sc_bundles>
